<compile_context>
chip_gen: v7x
topology: tpu7x:2x2x1
jax: 0.10.2.dev20260603
libtpu: 0.0.44.dev20260713+nightly
codegen_flags: <defaults>
</compile_context>

<pallas_src>
import functools

import jax
import jax.numpy as jnp
from jax import lax
from jax.experimental import pallas as pl
from jax.experimental.pallas import tpu as pltpu
from jax.experimental.pallas import tpu_sc as plsc

N = 10000
D = 128
E = 320000

NC = 2
NS = 16
CH = 128
CPT = 80
NT = NC * NS
E_PAD = NT * CPT * CH
N_PAD = 10240
SLAB = N_PAD // NS
RB = 128
NB = N_PAD // RB

_mesh = plsc.VectorSubcoreMesh(core_axis_name="c", subcore_axis_name="s")


@functools.partial(
    pl.kernel,
    out_type=jax.ShapeDtypeStruct((2 * N_PAD, 16), jnp.float32),
    mesh=_mesh,
    scratch_types=[
        pltpu.VMEM((CPT, CH), jnp.int32),
        pltpu.VMEM((CH, 16), jnp.float32),
        pltpu.VMEM((CH, 16), jnp.float32),
        pltpu.VMEM_SHARED((N_PAD, 16), jnp.float32),
        pltpu.SemaphoreType.DMA,
    ],
)
def _sc_degree(dst_hbm, out_hbm, idx_v, ones_v, zeros_v, acc, sem):
    c = lax.axis_index("c")
    s = lax.axis_index("s")
    wid = c * NS + s

    @pl.loop(0, CH)
    def _(i):
        zeros_v[i, :] = jnp.zeros((16,), jnp.float32)

    @pl.loop(0, CH)
    def _(i):
        ones_v[i, :] = jnp.ones((16,), jnp.float32)

    @pl.loop(0, SLAB // CH)
    def _(t):
        pltpu.sync_copy(zeros_v, acc.at[pl.ds(s * SLAB + t * CH, CH)])

    pltpu.async_copy(dst_hbm.at[pl.ds(wid * CPT, CPT)], idx_v, sem).wait()
    plsc.subcore_barrier()

    @pl.loop(0, CPT)
    def _(j):
        pltpu.sync_copy(ones_v, acc.at[idx_v.at[j]], add=True)

    plsc.subcore_barrier()

    @pl.loop(0, SLAB // CH)
    def _(t):
        pltpu.sync_copy(
            acc.at[pl.ds(s * SLAB + t * CH, CH)],
            out_hbm.at[pl.ds(c * N_PAD + s * SLAB + t * CH, CH)],
        )


SEG = 2
CPS = CPT // SEG
NSPLIT = 2
QW = CH // NSPLIT


def _gather_chunk(g_hbm, src_v, buf, jj, sems):
    for q in range(NSPLIT):
        pltpu.async_copy(
            g_hbm.at[src_v.at[jj, pl.ds(q * QW, QW)]],
            buf.at[pl.ds(q * QW, QW)], sems[q])


def _wait_chunk(g_hbm, src_v, buf, jj, sems):
    for q in range(NSPLIT):
        pltpu.make_async_copy(
            g_hbm.at[src_v.at[jj, pl.ds(q * QW, QW)]],
            buf.at[pl.ds(q * QW, QW)], sems[q]).wait()


@functools.partial(
    pl.kernel,
    out_type=jax.ShapeDtypeStruct((2 * N_PAD, D), jnp.float32),
    mesh=_mesh,
    scratch_types=[
        pltpu.VMEM((CPS, CH), jnp.int32),
        pltpu.VMEM((CPS, CH), jnp.int32),
        pltpu.VMEM((CH, D), jnp.float32),
        pltpu.VMEM((CH, D), jnp.float32),
        pltpu.VMEM_SHARED((N_PAD, D), jnp.float32),
    ] + [pltpu.SemaphoreType.DMA] * (1 + 2 * NSPLIT),
)
def _sc_edge(g_hbm, src_hbm, dst_hbm, out_hbm,
             src_v, dst_v, rows0, rows1, acc, sem_i, *gsems):
    sems = (gsems[:NSPLIT], gsems[NSPLIT:])
    rows = (rows0, rows1)
    c = lax.axis_index("c")
    s = lax.axis_index("s")
    wid = c * NS + s

    @pl.loop(0, CH)
    def _(i):
        @pl.loop(0, D // 16)
        def _(k):
            rows0[i, pl.ds(k * 16, 16)] = jnp.zeros((16,), jnp.float32)

    @pl.loop(0, SLAB // CH)
    def _(t):
        pltpu.sync_copy(rows0, acc.at[pl.ds(s * SLAB + t * CH, CH)])

    plsc.subcore_barrier()

    @pl.loop(0, SEG)
    def _(g):
        base = wid * CPT + g * CPS
        pltpu.async_copy(src_hbm.at[pl.ds(base, CPS)], src_v, sem_i).wait()
        pltpu.async_copy(dst_hbm.at[pl.ds(base, CPS)], dst_v, sem_i).wait()

        _gather_chunk(g_hbm, src_v, rows0, 0, sems[0])
        _gather_chunk(g_hbm, src_v, rows1, 1, sems[1])

        @pl.loop(0, CPS, step=2)
        def _(j):
            for b in range(2):
                jj = j + b
                _wait_chunk(g_hbm, src_v, rows[b], jj, sems[b])
                pltpu.sync_copy(rows[b], acc.at[dst_v.at[jj]], add=True)

                @pl.when(jj + 2 < CPS)
                def _():
                    _gather_chunk(g_hbm, src_v, rows[b], jj + 2, sems[b])

    plsc.subcore_barrier()

    @pl.loop(0, SLAB // CH)
    def _(t):
        pltpu.sync_copy(
            acc.at[pl.ds(s * SLAB + t * CH, CH)],
            out_hbm.at[pl.ds(c * N_PAD + s * SLAB + t * CH, CH)],
        )


def _prep_body(x_ref, w_ref, d0_ref, d1_ref, dis_ref, g_ref):
    deg = d0_ref[:, 0:1] + d1_ref[:, 0:1] + 1.0
    dis = lax.rsqrt(deg)
    dis_ref[...] = dis
    g_ref[...] = dis * jnp.dot(
        x_ref[...], w_ref[...], preferred_element_type=jnp.float32)


def _tc_prep(x_pad, W1, dpart):
    return pl.pallas_call(
        _prep_body,
        grid=(NB,),
        in_specs=[
            pl.BlockSpec((RB, D), lambda i: (i, 0)),
            pl.BlockSpec((D, D), lambda i: (0, 0)),
            pl.BlockSpec((RB, 16), lambda i: (i, 0)),
            pl.BlockSpec((RB, 16), lambda i: (NB + i, 0)),
        ],
        out_specs=[
            pl.BlockSpec((RB, 1), lambda i: (i, 0)),
            pl.BlockSpec((RB, D), lambda i: (i, 0)),
        ],
        out_shape=[
            jax.ShapeDtypeStruct((N_PAD, 1), jnp.float32),
            jax.ShapeDtypeStruct((N_PAD, D), jnp.float32),
        ],
    )(x_pad, W1, dpart, dpart)


def _mid_body(p0_ref, p1_ref, g_ref, dis_ref, b_ref, w_ref, o_ref):
    dis = dis_ref[...]
    z = jnp.maximum(
        dis * (p0_ref[...] + p1_ref[...] + g_ref[...]) + b_ref[...], 0.0)
    o_ref[...] = dis * jnp.dot(
        z, w_ref[...], preferred_element_type=jnp.float32)


def _tc_mid(part, g, dis, b, W2):
    return pl.pallas_call(
        _mid_body,
        grid=(NB,),
        in_specs=[
            pl.BlockSpec((RB, D), lambda i: (i, 0)),
            pl.BlockSpec((RB, D), lambda i: (NB + i, 0)),
            pl.BlockSpec((RB, D), lambda i: (i, 0)),
            pl.BlockSpec((RB, 1), lambda i: (i, 0)),
            pl.BlockSpec((1, D), lambda i: (0, 0)),
            pl.BlockSpec((D, D), lambda i: (0, 0)),
        ],
        out_specs=pl.BlockSpec((RB, D), lambda i: (i, 0)),
        out_shape=jax.ShapeDtypeStruct((N_PAD, D), jnp.float32),
    )(part, part, g, dis, b, W2)


def _out_body(p0_ref, p1_ref, g_ref, dis_ref, b_ref, o_ref):
    o_ref[...] = jnp.maximum(
        dis_ref[...] * (p0_ref[...] + p1_ref[...] + g_ref[...]) + b_ref[...],
        0.0)


def _tc_out(part, g, dis, b):
    return pl.pallas_call(
        _out_body,
        grid=(NB,),
        in_specs=[
            pl.BlockSpec((RB, D), lambda i: (i, 0)),
            pl.BlockSpec((RB, D), lambda i: (NB + i, 0)),
            pl.BlockSpec((RB, D), lambda i: (i, 0)),
            pl.BlockSpec((RB, 1), lambda i: (i, 0)),
            pl.BlockSpec((1, D), lambda i: (0, 0)),
        ],
        out_specs=pl.BlockSpec((RB, D), lambda i: (i, 0)),
        out_shape=jax.ShapeDtypeStruct((N_PAD, D), jnp.float32),
    )(part, part, g, dis, b)


def kernel(x, edge_index, W1, b1, W2, b2):
    src = edge_index[0].astype(jnp.int32)
    dst = edge_index[1].astype(jnp.int32)
    pad = E_PAD - E
    src_p = jnp.concatenate([src, jnp.zeros((pad,), jnp.int32)])
    dst_p = jnp.concatenate(
        [dst, N + (jnp.arange(pad, dtype=jnp.int32) % (N_PAD - N))])
    src2d = src_p.reshape(NT * CPT, CH)
    dst2d = dst_p.reshape(NT * CPT, CH)

    x_pad = jnp.zeros((N_PAD, D), jnp.float32).at[:N].set(x)
    b1r = b1.reshape(1, D)
    b2r = b2.reshape(1, D)

    dpart = _sc_degree(dst2d)
    dis, g1 = _tc_prep(x_pad, W1, dpart)
    part1 = _sc_edge(g1, src2d, dst2d)
    g2 = _tc_mid(part1, g1, dis, b1r, W2)
    part2 = _sc_edge(g2, src2d, dst2d)
    h2 = _tc_out(part2, g2, dis, b2r)
    return h2[:N]

# --- scband reference (transcript-rebuilt; emitter-appended) ---
"""Pipeline reference for scband-gcn-60722247631312 (READ-ONLY COPY).

The authoritative reference and input builder live on the scoring server;
editing this copy changes nothing except your own understanding.
"""

import jax, jax.numpy as jnp
import numpy as np

N = 10000
E = 320000
D = 128

def setup_inputs(seed: int = 0) -> dict:
    key = jax.random.key(seed)
    k1, k2, k3, k4, k5, k6 = jax.random.split(key, 6)
    x = jax.random.normal(k1, (N, D), dtype=jnp.float32)
    edge_index = jax.random.randint(k2, (2, E), 0, N, dtype=jnp.int64)
    s = 1.0 / np.sqrt(D)
    W1 = jax.random.normal(k3, (D, D), dtype=jnp.float32) * s
    b1 = jax.random.normal(k4, (D,), dtype=jnp.float32) * 0.01
    W2 = jax.random.normal(k5, (D, D), dtype=jnp.float32) * s
    b2 = jax.random.normal(k6, (D,), dtype=jnp.float32) * 0.01
    return {"x": x, "edge_index": edge_index, "W1": W1, "b1": b1, "W2": W2, "b2": b2}

def _gcn_norm(edge_index, n):
    # add self loops, compute symmetric normalization (PyG gcn_norm)
    loop = jnp.arange(n, dtype=edge_index.dtype)
    src = jnp.concatenate([edge_index[0], loop])
    dst = jnp.concatenate([edge_index[1], loop])
    deg = jax.ops.segment_sum(jnp.ones_like(dst, dtype=jnp.float32), dst, num_segments=n)
    deg_inv_sqrt = jnp.where(deg > 0, deg ** -0.5, 0.0)
    norm = deg_inv_sqrt[src] * deg_inv_sqrt[dst]
    return src, dst, norm

def _gcn_conv(x, src, dst, norm, W, b, n):
    h = x @ W
    msg = h[src] * norm[:, None]
    out = jax.ops.segment_sum(msg, dst, num_segments=n)
    return out + b

def reference(x, edge_index, W1, b1, W2, b2):
    # encoder = identity; dropout in eval mode = identity
    n = x.shape[0]
    src, dst, norm = _gcn_norm(edge_index, n)
    h1 = jax.nn.relu(_gcn_conv(x, src, dst, norm, W1, b1, n))
    h2 = jax.nn.relu(_gcn_conv(h1, src, dst, norm, W2, b2, n))
    return h2

if __name__ == "__main__":
    import jax
    _d = setup_inputs()
    print(jax.jit(kernel)(*tuple(_d.values())))

</pallas_src>

<mosaic_0001>
#map = affine_map<(d0, d1) -> (0, 0)>
module attributes {stable_mosaic.version = 14 : i64} {
  func.func @_sc_edge(%arg0: i32, %arg1: i32, %arg2: memref<10240x128xf32, #tpu.memory_space<hbm>>, %arg3: memref<2560x128xi32, #tpu.memory_space<hbm>>, %arg4: memref<2560x128xi32, #tpu.memory_space<hbm>>, %arg5: memref<20480x128xf32, #tpu.memory_space<hbm>>, %arg6: memref<40x128xi32, #tpu.memory_space<vmem>>, %arg7: memref<40x128xi32, #tpu.memory_space<vmem>>, %arg8: memref<128x128xf32, #tpu.memory_space<vmem>>, %arg9: memref<128x128xf32, #tpu.memory_space<vmem>>, %arg10: memref<10240x128xf32, #tpu.memory_space<vmem_shared>>, %arg11: memref<!tpu.dma_semaphore, #tpu.memory_space<semaphore_mem>>, %arg12: memref<!tpu.dma_semaphore, #tpu.memory_space<semaphore_mem>>, %arg13: memref<!tpu.dma_semaphore, #tpu.memory_space<semaphore_mem>>, %arg14: memref<!tpu.dma_semaphore, #tpu.memory_space<semaphore_mem>>, %arg15: memref<!tpu.dma_semaphore, #tpu.memory_space<semaphore_mem>>) attributes {dimension_semantics = [#tpu.dimension_semantics<core_parallel>, #tpu.dimension_semantics<subcore_parallel>], iteration_bounds = array<i64: 2, 16>, scalar_prefetch = 0 : i64, scratch_operands = 10 : i64, tpu.core_type = #tpu.core_type<sc_vector_subcore>, window_params = [{transform_indices = #map}, {transform_indices = #map}, {transform_indices = #map}, {transform_indices = #map}]} {
    %mul3A = arith.constant 16 : i32
    %mul3A_0 = arith.muli %arg0, %mul3A : i32
    %add3A = arith.addi %mul3A_0, %arg1 : i32
    %scan3A = arith.constant 0 : i32
    %scan3A_1 = arith.constant 128 : i32
    %scan3A_2 = arith.addi %scan3A, %scan3A_1 : i32
    %scan3A_3 = arith.constant 1 : i32
    scf.for %scan3A_21 = %scan3A to %scan3A_2 step %scan3A_3  : i32 {
      %mul3A_22 = arith.constant 1 : i32
      %mul3A_23 = arith.muli %scan3A_21, %mul3A_22 : i32
      %add3A_24 = arith.constant 0 : i32
      %add3A_25 = arith.addi %add3A_24, %mul3A_23 : i32
      %scan3A_26 = arith.constant 0 : i32
      %scan3A_27 = arith.constant 8 : i32
      %scan3A_28 = arith.addi %scan3A_26, %scan3A_27 : i32
      %scan3A_29 = arith.constant 1 : i32
      scf.for %scan3A_31 = %scan3A_26 to %scan3A_28 step %scan3A_29  : i32 {
        %mul3A_32 = arith.constant 1 : i32
        %mul3A_33 = arith.muli %scan3A_31, %mul3A_32 : i32
        %add3A_34 = arith.constant 0 : i32
        %add3A_35 = arith.addi %add3A_34, %mul3A_33 : i32
        %broadcast_in_dim3A = arith.constant 0.000000e+00 : f32
        %broadcast_in_dim3A_36 = vector.broadcast %broadcast_in_dim3A : f32 to vector<16xf32>
        %mul3A_37 = arith.constant 16 : i32
        %mul3A_38 = arith.muli %add3A_35, %mul3A_37 : i32
        %swap3A = arith.index_cast %add3A_25 : i32 to index
        %swap3A_39 = arith.index_cast %mul3A_38 : i32 to index
        %swap3A_40 = tpu.vector_load %arg8[%swap3A, %swap3A_39] {strides = array<i32>} : memref<128x128xf32, #tpu.memory_space<vmem>>, vector<1x16xf32>,
        %swap3A_41 = vector.shape_cast %swap3A_40 : vector<1x16xf32> to vector<16xf32>
        %swap3A_42 = vector.shape_cast %broadcast_in_dim3A_36 : vector<16xf32> to vector<1x16xf32>
        tpu.vector_store %arg8[%swap3A, %swap3A_39], %swap3A_42 {strides = array<i32>} : memref<128x128xf32, #tpu.memory_space<vmem>>, vector<1x16xf32>,
      }
      %scan3A_30 = arith.constant 8 : i32
    }
    %scan3A_4 = arith.constant 128 : i32
    %scan3A_5 = arith.constant 0 : i32
    %scan3A_6 = arith.constant 5 : i32
    %scan3A_7 = arith.addi %scan3A_5, %scan3A_6 : i32
    %scan3A_8 = arith.constant 1 : i32
    scf.for %scan3A_21 = %scan3A_5 to %scan3A_7 step %scan3A_8  : i32 {
      %mul3A_22 = arith.constant 1 : i32
      %mul3A_23 = arith.muli %scan3A_21, %mul3A_22 : i32
      %add3A_24 = arith.constant 0 : i32
      %add3A_25 = arith.addi %add3A_24, %mul3A_23 : i32
      %mul3A_26 = arith.constant 640 : i32
      %mul3A_27 = arith.muli %arg1, %mul3A_26 : i32
      %mul3A_28 = arith.constant 128 : i32
      %mul3A_29 = arith.muli %add3A_25, %mul3A_28 : i32
      %add3A_30 = arith.addi %mul3A_27, %mul3A_29 : i32
      "tpu.region"() ({
        %run_scoped3A = tpu.sem_alloc : memref<!tpu.dma_semaphore, #tpu.memory_space<semaphore_mem>>
        %dma_start3A = arith.constant 0 : i32
        %dma_start3A_31 = tpu.memref_slice %arg10[%add3A_30, %dma_start3A] : memref<10240x128xf32, #tpu.memory_space<vmem_shared>> -> memref<128x128xf32, #tpu.memory_space<vmem_shared>>
        %dma_start3A_32 = arith.constant 0 : i32
        %dma_start3A_33 = tpu.memref_slice %arg10[%add3A_30, %dma_start3A_32] : memref<10240x128xf32, #tpu.memory_space<vmem_shared>> -> memref<128x128xf32, #tpu.memory_space<vmem_shared>>
        tpu.enqueue_dma source(%arg8 : memref<128x128xf32, #tpu.memory_space<vmem>>) target(%dma_start3A_33 : memref<128x128xf32, #tpu.memory_space<vmem_shared>>) target_semaphore(%run_scoped3A : memref<!tpu.dma_semaphore, #tpu.memory_space<semaphore_mem>>)
        %dma_wait3A = arith.constant 0 : i32
        %dma_wait3A_34 = tpu.memref_slice %arg10[%add3A_30, %dma_wait3A] : memref<10240x128xf32, #tpu.memory_space<vmem_shared>> -> memref<128x128xf32, #tpu.memory_space<vmem_shared>>
        %dma_wait3A_35 = arith.constant 0 : i32
        %dma_wait3A_36 = tpu.memref_slice %arg10[%add3A_30, %dma_wait3A_35] : memref<10240x128xf32, #tpu.memory_space<vmem_shared>> -> memref<128x128xf32, #tpu.memory_space<vmem_shared>>
        tpu.wait_dma2 semaphore(%run_scoped3A : memref<!tpu.dma_semaphore, #tpu.memory_space<semaphore_mem>>) src(%arg8 : memref<128x128xf32, #tpu.memory_space<vmem>>) dst(%dma_wait3A_36 : memref<128x128xf32, #tpu.memory_space<vmem_shared>>)
        tpu.yield
      }) : () -> ()
    }
    %scan3A_9 = arith.constant 5 : i32
    %barrier3A = arith.constant 0 : index
    tpu.barrier barrier_id(%barrier3A)
    %scan3A_10 = arith.constant 0 : i32
    %scan3A_11 = arith.constant 2 : i32
    %scan3A_12 = arith.addi %scan3A_10, %scan3A_11 : i32
    %scan3A_13 = arith.constant 1 : i32
    scf.for %scan3A_21 = %scan3A_10 to %scan3A_12 step %scan3A_13  : i32 {
      %mul3A_22 = arith.constant 1 : i32
      %mul3A_23 = arith.muli %scan3A_21, %mul3A_22 : i32
      %add3A_24 = arith.constant 0 : i32
      %add3A_25 = arith.addi %add3A_24, %mul3A_23 : i32
      %mul3A_26 = arith.constant 80 : i32
      %mul3A_27 = arith.muli %add3A, %mul3A_26 : i32
      %mul3A_28 = arith.constant 40 : i32
      %mul3A_29 = arith.muli %add3A_25, %mul3A_28 : i32
      %add3A_30 = arith.addi %mul3A_27, %mul3A_29 : i32
      %dma_start3A = arith.constant 0 : i32
      %dma_start3A_31 = tpu.memref_slice %arg3[%add3A_30, %dma_start3A] : memref<2560x128xi32, #tpu.memory_space<hbm>> -> memref<40x128xi32, #tpu.memory_space<hbm>>
      %dma_start3A_32 = arith.constant 0 : i32
      %dma_start3A_33 = tpu.memref_slice %arg3[%add3A_30, %dma_start3A_32] : memref<2560x128xi32, #tpu.memory_space<hbm>> -> memref<40x128xi32, #tpu.memory_space<hbm>>
      tpu.enqueue_dma source(%dma_start3A_33 : memref<40x128xi32, #tpu.memory_space<hbm>>) target(%arg6 : memref<40x128xi32, #tpu.memory_space<vmem>>) target_semaphore(%arg11 : memref<!tpu.dma_semaphore, #tpu.memory_space<semaphore_mem>>)
      %dma_wait3A = arith.constant 0 : i32
      %dma_wait3A_34 = tpu.memref_slice %arg3[%add3A_30, %dma_wait3A] : memref<2560x128xi32, #tpu.memory_space<hbm>> -> memref<40x128xi32, #tpu.memory_space<hbm>>
      %dma_wait3A_35 = arith.constant 0 : i32
      %dma_wait3A_36 = tpu.memref_slice %arg3[%add3A_30, %dma_wait3A_35] : memref<2560x128xi32, #tpu.memory_space<hbm>> -> memref<40x128xi32, #tpu.memory_space<hbm>>
      tpu.wait_dma2 semaphore(%arg11 : memref<!tpu.dma_semaphore, #tpu.memory_space<semaphore_mem>>) src(%dma_wait3A_36 : memref<40x128xi32, #tpu.memory_space<hbm>>) dst(%arg6 : memref<40x128xi32, #tpu.memory_space<vmem>>)
      %dma_start3A_37 = arith.constant 0 : i32
      %dma_start3A_38 = tpu.memref_slice %arg4[%add3A_30, %dma_start3A_37] : memref<2560x128xi32, #tpu.memory_space<hbm>> -> memref<40x128xi32, #tpu.memory_space<hbm>>
      %dma_start3A_39 = arith.constant 0 : i32
      %dma_start3A_40 = tpu.memref_slice %arg4[%add3A_30, %dma_start3A_39] : memref<2560x128xi32, #tpu.memory_space<hbm>> -> memref<40x128xi32, #tpu.memory_space<hbm>>
      tpu.enqueue_dma source(%dma_start3A_40 : memref<40x128xi32, #tpu.memory_space<hbm>>) target(%arg7 : memref<40x128xi32, #tpu.memory_space<vmem>>) target_semaphore(%arg11 : memref<!tpu.dma_semaphore, #tpu.memory_space<semaphore_mem>>)
      %dma_wait3A_41 = arith.constant 0 : i32
      %dma_wait3A_42 = tpu.memref_slice %arg4[%add3A_30, %dma_wait3A_41] : memref<2560x128xi32, #tpu.memory_space<hbm>> -> memref<40x128xi32, #tpu.memory_space<hbm>>
      %dma_wait3A_43 = arith.constant 0 : i32
      %dma_wait3A_44 = tpu.memref_slice %arg4[%add3A_30, %dma_wait3A_43] : memref<2560x128xi32, #tpu.memory_space<hbm>> -> memref<40x128xi32, #tpu.memory_space<hbm>>
      tpu.wait_dma2 semaphore(%arg11 : memref<!tpu.dma_semaphore, #tpu.memory_space<semaphore_mem>>) src(%dma_wait3A_44 : memref<40x128xi32, #tpu.memory_space<hbm>>) dst(%arg7 : memref<40x128xi32, #tpu.memory_space<vmem>>)
      %dma_start3A_45 = arith.constant 0 : i32
      %dma_start3A_46 = arith.constant 0 : i32
      %dma_start3A_47 = arith.constant 0 : i32
      %dma_start3A_48 = tpu.memref_slice %arg8[%dma_start3A_46, %dma_start3A_47] : memref<128x128xf32, #tpu.memory_space<vmem>> -> memref<64x128xf32, #tpu.memory_space<vmem>>
      %dma_start3A_49 = arith.constant 0 : i32
      %dma_start3A_50 = tpu.memref_slice %arg6[%dma_start3A_45, %dma_start3A_49] : memref<40x128xi32, #tpu.memory_space<vmem>> -> memref<1x64xi32, #tpu.memory_space<vmem>>
      %dma_start3A_51 = tpu.memref_squeeze %dma_start3A_50 : memref<1x64xi32, #tpu.memory_space<vmem>> -> memref<64xi32, #tpu.memory_space<vmem>>
      %dma_start3A_52 = arith.constant 0 : i32
      %dma_start3A_53 = arith.constant 0 : i32
      %dma_start3A_54 = tpu.memref_slice %arg2[%dma_start3A_52, %dma_start3A_53] : memref<10240x128xf32, #tpu.memory_space<hbm>> -> memref<10240x128xf32, #tpu.memory_space<hbm>>
      tpu.enqueue_indirect_dma source(%dma_start3A_54 : memref<10240x128xf32, #tpu.memory_space<hbm>>) target(%dma_start3A_48 : memref<64x128xf32, #tpu.memory_space<vmem>>) offsets(%dma_start3A_51 : memref<64xi32, #tpu.memory_space<vmem>>) semaphore(%arg12 : memref<!tpu.dma_semaphore, #tpu.memory_space<semaphore_mem>>)
      %dma_start3A_55 = arith.constant 0 : i32
      %dma_start3A_56 = arith.constant 64 : i32
      %dma_start3A_57 = arith.constant 0 : i32
      %dma_start3A_58 = tpu.memref_slice %arg8[%dma_start3A_56, %dma_start3A_57] : memref<128x128xf32, #tpu.memory_space<vmem>> -> memref<64x128xf32, #tpu.memory_space<vmem>>
      %dma_start3A_59 = arith.constant 64 : i32
      %dma_start3A_60 = tpu.memref_slice %arg6[%dma_start3A_55, %dma_start3A_59] : memref<40x128xi32, #tpu.memory_space<vmem>> -> memref<1x64xi32, #tpu.memory_space<vmem>>
      %dma_start3A_61 = tpu.memref_squeeze %dma_start3A_60 : memref<1x64xi32, #tpu.memory_space<vmem>> -> memref<64xi32, #tpu.memory_space<vmem>>
      %dma_start3A_62 = arith.constant 0 : i32
      %dma_start3A_63 = arith.constant 0 : i32
      %dma_start3A_64 = tpu.memref_slice %arg2[%dma_start3A_62, %dma_start3A_63] : memref<10240x128xf32, #tpu.memory_space<hbm>> -> memref<10240x128xf32, #tpu.memory_space<hbm>>
      tpu.enqueue_indirect_dma source(%dma_start3A_64 : memref<10240x128xf32, #tpu.memory_space<hbm>>) target(%dma_start3A_58 : memref<64x128xf32, #tpu.memory_space<vmem>>) offsets(%dma_start3A_61 : memref<64xi32, #tpu.memory_space<vmem>>) semaphore(%arg13 : memref<!tpu.dma_semaphore, #tpu.memory_space<semaphore_mem>>)
      %dma_start3A_65 = arith.constant 1 : i32
      %dma_start3A_66 = arith.constant 0 : i32
      %dma_start3A_67 = arith.constant 0 : i32
      %dma_start3A_68 = tpu.memref_slice %arg9[%dma_start3A_66, %dma_start3A_67] : memref<128x128xf32, #tpu.memory_space<vmem>> -> memref<64x128xf32, #tpu.memory_space<vmem>>
      %dma_start3A_69 = arith.constant 0 : i32
      %dma_start3A_70 = tpu.memref_slice %arg6[%dma_start3A_65, %dma_start3A_69] : memref<40x128xi32, #tpu.memory_space<vmem>> -> memref<1x64xi32, #tpu.memory_space<vmem>>
      %dma_start3A_71 = tpu.memref_squeeze %dma_start3A_70 : memref<1x64xi32, #tpu.memory_space<vmem>> -> memref<64xi32, #tpu.memory_space<vmem>>
      %dma_start3A_72 = arith.constant 0 : i32
      %dma_start3A_73 = arith.constant 0 : i32
      %dma_start3A_74 = tpu.memref_slice %arg2[%dma_start3A_72, %dma_start3A_73] : memref<10240x128xf32, #tpu.memory_space<hbm>> -> memref<10240x128xf32, #tpu.memory_space<hbm>>
      tpu.enqueue_indirect_dma source(%dma_start3A_74 : memref<10240x128xf32, #tpu.memory_space<hbm>>) target(%dma_start3A_68 : memref<64x128xf32, #tpu.memory_space<vmem>>) offsets(%dma_start3A_71 : memref<64xi32, #tpu.memory_space<vmem>>) semaphore(%arg14 : memref<!tpu.dma_semaphore, #tpu.memory_space<semaphore_mem>>)
      %dma_start3A_75 = arith.constant 1 : i32
      %dma_start3A_76 = arith.constant 64 : i32
      %dma_start3A_77 = arith.constant 0 : i32
      %dma_start3A_78 = tpu.memref_slice %arg9[%dma_start3A_76, %dma_start3A_77] : memref<128x128xf32, #tpu.memory_space<vmem>> -> memref<64x128xf32, #tpu.memory_space<vmem>>
      %dma_start3A_79 = arith.constant 64 : i32
      %dma_start3A_80 = tpu.memref_slice %arg6[%dma_start3A_75, %dma_start3A_79] : memref<40x128xi32, #tpu.memory_space<vmem>> -> memref<1x64xi32, #tpu.memory_space<vmem>>
      %dma_start3A_81 = tpu.memref_squeeze %dma_start3A_80 : memref<1x64xi32, #tpu.memory_space<vmem>> -> memref<64xi32, #tpu.memory_space<vmem>>
      %dma_start3A_82 = arith.constant 0 : i32
      %dma_start3A_83 = arith.constant 0 : i32
      %dma_start3A_84 = tpu.memref_slice %arg2[%dma_start3A_82, %dma_start3A_83] : memref<10240x128xf32, #tpu.memory_space<hbm>> -> memref<10240x128xf32, #tpu.memory_space<hbm>>
      tpu.enqueue_indirect_dma source(%dma_start3A_84 : memref<10240x128xf32, #tpu.memory_space<hbm>>) target(%dma_start3A_78 : memref<64x128xf32, #tpu.memory_space<vmem>>) offsets(%dma_start3A_81 : memref<64xi32, #tpu.memory_space<vmem>>) semaphore(%arg15 : memref<!tpu.dma_semaphore, #tpu.memory_space<semaphore_mem>>)
      %scan3A_85 = arith.constant 0 : i32
      %scan3A_86 = arith.constant 20 : i32
      %scan3A_87 = arith.addi %scan3A_85, %scan3A_86 : i32
      %scan3A_88 = arith.constant 1 : i32
      scf.for %scan3A_90 = %scan3A_85 to %scan3A_87 step %scan3A_88  : i32 {
        %mul3A_91 = arith.constant 2 : i32
        %mul3A_92 = arith.muli %scan3A_90, %mul3A_91 : i32
        %add3A_93 = arith.constant 0 : i32
        %add3A_94 = arith.addi %add3A_93, %mul3A_92 : i32
        %add3A_95 = arith.constant 0 : i32
        %add3A_96 = arith.addi %add3A_94, %add3A_95 : i32
        %dma_wait3A_97 = arith.constant 0 : i32
        %dma_wait3A_98 = arith.constant 0 : i32
        %dma_wait3A_99 = tpu.memref_slice %arg8[%dma_wait3A_97, %dma_wait3A_98] : memref<128x128xf32, #tpu.memory_space<vmem>> -> memref<64x128xf32, #tpu.memory_space<vmem>>
        %dma_wait3A_100 = arith.constant 0 : i32
        %dma_wait3A_101 = tpu.memref_slice %arg6[%add3A_96, %dma_wait3A_100] : memref<40x128xi32, #tpu.memory_space<vmem>> -> memref<1x64xi32, #tpu.memory_space<vmem>>
        %dma_wait3A_102 = tpu.memref_squeeze %dma_wait3A_101 : memref<1x64xi32, #tpu.memory_space<vmem>> -> memref<64xi32, #tpu.memory_space<vmem>>
        %dma_wait3A_103 = arith.constant 0 : i32
        %dma_wait3A_104 = arith.constant 0 : i32
        %dma_wait3A_105 = tpu.memref_slice %arg2[%dma_wait3A_103, %dma_wait3A_104] : memref<10240x128xf32, #tpu.memory_space<hbm>> -> memref<10240x128xf32, #tpu.memory_space<hbm>>
        tpu.wait_indirect_dma semaphore(%arg12 : memref<!tpu.dma_semaphore, #tpu.memory_space<semaphore_mem>>) src(%dma_wait3A_105 : memref<10240x128xf32, #tpu.memory_space<hbm>>) dst(%dma_wait3A_99 : memref<64x128xf32, #tpu.memory_space<vmem>>)
        %dma_wait3A_106 = arith.constant 64 : i32
        %dma_wait3A_107 = arith.constant 0 : i32
        %dma_wait3A_108 = tpu.memref_slice %arg8[%dma_wait3A_106, %dma_wait3A_107] : memref<128x128xf32, #tpu.memory_space<vmem>> -> memref<64x128xf32, #tpu.memory_space<vmem>>
        %dma_wait3A_109 = arith.constant 64 : i32
        %dma_wait3A_110 = tpu.memref_slice %arg6[%add3A_96, %dma_wait3A_109] : memref<40x128xi32, #tpu.memory_space<vmem>> -> memref<1x64xi32, #tpu.memory_space<vmem>>
        %dma_wait3A_111 = tpu.memref_squeeze %dma_wait3A_110 : memref<1x64xi32, #tpu.memory_space<vmem>> -> memref<64xi32, #tpu.memory_space<vmem>>
        %dma_wait3A_112 = arith.constant 0 : i32
        %dma_wait3A_113 = arith.constant 0 : i32
        %dma_wait3A_114 = tpu.memref_slice %arg2[%dma_wait3A_112, %dma_wait3A_113] : memref<10240x128xf32, #tpu.memory_space<hbm>> -> memref<10240x128xf32, #tpu.memory_space<hbm>>
        tpu.wait_indirect_dma semaphore(%arg13 : memref<!tpu.dma_semaphore, #tpu.memory_space<semaphore_mem>>) src(%dma_wait3A_114 : memref<10240x128xf32, #tpu.memory_space<hbm>>) dst(%dma_wait3A_108 : memref<64x128xf32, #tpu.memory_space<vmem>>)
        "tpu.region"() ({
          %run_scoped3A = tpu.sem_alloc : memref<!tpu.dma_semaphore, #tpu.memory_space<semaphore_mem>>
          %dma_start3A_146 = arith.constant 0 : i32
          %dma_start3A_147 = tpu.memref_slice %arg7[%add3A_96, %dma_start3A_146] : memref<40x128xi32, #tpu.memory_space<vmem>> -> memref<1x128xi32, #tpu.memory_space<vmem>>
          %dma_start3A_148 = tpu.memref_squeeze %dma_start3A_147 : memref<1x128xi32, #tpu.memory_space<vmem>> -> memref<128xi32, #tpu.memory_space<vmem>>
          %dma_start3A_149 = arith.constant 0 : i32
          %dma_start3A_150 = arith.constant 0 : i32
          %dma_start3A_151 = tpu.memref_slice %arg10[%dma_start3A_149, %dma_start3A_150] : memref<10240x128xf32, #tpu.memory_space<vmem_shared>> -> memref<10240x128xf32, #tpu.memory_space<vmem_shared>>
          tpu.enqueue_indirect_dma source(%arg8 : memref<128x128xf32, #tpu.memory_space<vmem>>) target(%dma_start3A_151 : memref<10240x128xf32, #tpu.memory_space<vmem_shared>>) offsets(%dma_start3A_148 : memref<128xi32, #tpu.memory_space<vmem>>) semaphore(%run_scoped3A : memref<!tpu.dma_semaphore, #tpu.memory_space<semaphore_mem>>) {add = true}
          %dma_wait3A_152 = arith.constant 0 : i32
          %dma_wait3A_153 = tpu.memref_slice %arg7[%add3A_96, %dma_wait3A_152] : memref<40x128xi32, #tpu.memory_space<vmem>> -> memref<1x128xi32, #tpu.memory_space<vmem>>
          %dma_wait3A_154 = tpu.memref_squeeze %dma_wait3A_153 : memref<1x128xi32, #tpu.memory_space<vmem>> -> memref<128xi32, #tpu.memory_space<vmem>>
          %dma_wait3A_155 = arith.constant 0 : i32
          %dma_wait3A_156 = arith.constant 0 : i32
          %dma_wait3A_157 = tpu.memref_slice %arg10[%dma_wait3A_155, %dma_wait3A_156] : memref<10240x128xf32, #tpu.memory_space<vmem_shared>> -> memref<10240x128xf32, #tpu.memory_space<vmem_shared>>
          tpu.wait_indirect_dma semaphore(%run_scoped3A : memref<!tpu.dma_semaphore, #tpu.memory_space<semaphore_mem>>) src(%arg8 : memref<128x128xf32, #tpu.memory_space<vmem>>) dst(%dma_wait3A_157 : memref<10240x128xf32, #tpu.memory_space<vmem_shared>>)
          tpu.yield
        }) : () -> ()
        %add3A_115 = arith.constant 2 : i32
        %add3A_116 = arith.addi %add3A_96, %add3A_115 : i32
        %lt3A = arith.constant 40 : i32
        %lt3A_117 = arith.cmpi slt, %add3A_116, %lt3A : i32
        %convert_element_type3A = arith.extui %lt3A_117 : i1 to i32
        %cond3A = arith.constant 0 : i32
        %cond3A_118 = arith.cmpi ne, %convert_element_type3A, %cond3A : i32
        scf.if %cond3A_118 {
          %add3A_146 = arith.constant 2 : i32
          %add3A_147 = arith.addi %add3A_96, %add3A_146 : i32
          %dma_start3A_148 = arith.constant 0 : i32
          %dma_start3A_149 = arith.constant 0 : i32
          %dma_start3A_150 = tpu.memref_slice %arg8[%dma_start3A_148, %dma_start3A_149] : memref<128x128xf32, #tpu.memory_space<vmem>> -> memref<64x128xf32, #tpu.memory_space<vmem>>
          %dma_start3A_151 = arith.constant 0 : i32
          %dma_start3A_152 = tpu.memref_slice %arg6[%add3A_147, %dma_start3A_151] : memref<40x128xi32, #tpu.memory_space<vmem>> -> memref<1x64xi32, #tpu.memory_space<vmem>>
          %dma_start3A_153 = tpu.memref_squeeze %dma_start3A_152 : memref<1x64xi32, #tpu.memory_space<vmem>> -> memref<64xi32, #tpu.memory_space<vmem>>
          %dma_start3A_154 = arith.constant 0 : i32
          %dma_start3A_155 = arith.constant 0 : i32
          %dma_start3A_156 = tpu.memref_slice %arg2[%dma_start3A_154, %dma_start3A_155] : memref<10240x128xf32, #tpu.memory_space<hbm>> -> memref<10240x128xf32, #tpu.memory_space<hbm>>
          tpu.enqueue_indirect_dma source(%dma_start3A_156 : memref<10240x128xf32, #tpu.memory_space<hbm>>) target(%dma_start3A_150 : memref<64x128xf32, #tpu.memory_space<vmem>>) offsets(%dma_start3A_153 : memref<64xi32, #tpu.memory_space<vmem>>) semaphore(%arg12 : memref<!tpu.dma_semaphore, #tpu.memory_space<semaphore_mem>>)
          %dma_start3A_157 = arith.constant 64 : i32
          %dma_start3A_158 = arith.constant 0 : i32
          %dma_start3A_159 = tpu.memref_slice %arg8[%dma_start3A_157, %dma_start3A_158] : memref<128x128xf32, #tpu.memory_space<vmem>> -> memref<64x128xf32, #tpu.memory_space<vmem>>
          %dma_start3A_160 = arith.constant 64 : i32
          %dma_start3A_161 = tpu.memref_slice %arg6[%add3A_147, %dma_start3A_160] : memref<40x128xi32, #tpu.memory_space<vmem>> -> memref<1x64xi32, #tpu.memory_space<vmem>>
          %dma_start3A_162 = tpu.memref_squeeze %dma_start3A_161 : memref<1x64xi32, #tpu.memory_space<vmem>> -> memref<64xi32, #tpu.memory_space<vmem>>
          %dma_start3A_163 = arith.constant 0 : i32
          %dma_start3A_164 = arith.constant 0 : i32
          %dma_start3A_165 = tpu.memref_slice %arg2[%dma_start3A_163, %dma_start3A_164] : memref<10240x128xf32, #tpu.memory_space<hbm>> -> memref<10240x128xf32, #tpu.memory_space<hbm>>
          tpu.enqueue_indirect_dma source(%dma_start3A_165 : memref<10240x128xf32, #tpu.memory_space<hbm>>) target(%dma_start3A_159 : memref<64x128xf32, #tpu.memory_space<vmem>>) offsets(%dma_start3A_162 : memref<64xi32, #tpu.memory_space<vmem>>) semaphore(%arg13 : memref<!tpu.dma_semaphore, #tpu.memory_space<semaphore_mem>>)
        } else {
        }
        %add3A_119 = arith.constant 1 : i32
        %add3A_120 = arith.addi %add3A_94, %add3A_119 : i32
        %dma_wait3A_121 = arith.constant 0 : i32
        %dma_wait3A_122 = arith.constant 0 : i32
        %dma_wait3A_123 = tpu.memref_slice %arg9[%dma_wait3A_121, %dma_wait3A_122] : memref<128x128xf32, #tpu.memory_space<vmem>> -> memref<64x128xf32, #tpu.memory_space<vmem>>
        %dma_wait3A_124 = arith.constant 0 : i32
        %dma_wait3A_125 = tpu.memref_slice %arg6[%add3A_120, %dma_wait3A_124] : memref<40x128xi32, #tpu.memory_space<vmem>> -> memref<1x64xi32, #tpu.memory_space<vmem>>
        %dma_wait3A_126 = tpu.memref_squeeze %dma_wait3A_125 : memref<1x64xi32, #tpu.memory_space<vmem>> -> memref<64xi32, #tpu.memory_space<vmem>>
        %dma_wait3A_127 = arith.constant 0 : i32
        %dma_wait3A_128 = arith.constant 0 : i32
        %dma_wait3A_129 = tpu.memref_slice %arg2[%dma_wait3A_127, %dma_wait3A_128] : memref<10240x128xf32, #tpu.memory_space<hbm>> -> memref<10240x128xf32, #tpu.memory_space<hbm>>
        tpu.wait_indirect_dma semaphore(%arg14 : memref<!tpu.dma_semaphore, #tpu.memory_space<semaphore_mem>>) src(%dma_wait3A_129 : memref<10240x128xf32, #tpu.memory_space<hbm>>) dst(%dma_wait3A_123 : memref<64x128xf32, #tpu.memory_space<vmem>>)
        %dma_wait3A_130 = arith.constant 64 : i32
        %dma_wait3A_131 = arith.constant 0 : i32
        %dma_wait3A_132 = tpu.memref_slice %arg9[%dma_wait3A_130, %dma_wait3A_131] : memref<128x128xf32, #tpu.memory_space<vmem>> -> memref<64x128xf32, #tpu.memory_space<vmem>>
        %dma_wait3A_133 = arith.constant 64 : i32
        %dma_wait3A_134 = tpu.memref_slice %arg6[%add3A_120, %dma_wait3A_133] : memref<40x128xi32, #tpu.memory_space<vmem>> -> memref<1x64xi32, #tpu.memory_space<vmem>>
        %dma_wait3A_135 = tpu.memref_squeeze %dma_wait3A_134 : memref<1x64xi32, #tpu.memory_space<vmem>> -> memref<64xi32, #tpu.memory_space<vmem>>
        %dma_wait3A_136 = arith.constant 0 : i32
        %dma_wait3A_137 = arith.constant 0 : i32
        %dma_wait3A_138 = tpu.memref_slice %arg2[%dma_wait3A_136, %dma_wait3A_137] : memref<10240x128xf32, #tpu.memory_space<hbm>> -> memref<10240x128xf32, #tpu.memory_space<hbm>>
        tpu.wait_indirect_dma semaphore(%arg15 : memref<!tpu.dma_semaphore, #tpu.memory_space<semaphore_mem>>) src(%dma_wait3A_138 : memref<10240x128xf32, #tpu.memory_space<hbm>>) dst(%dma_wait3A_132 : memref<64x128xf32, #tpu.memory_space<vmem>>)
        "tpu.region"() ({
          %run_scoped3A = tpu.sem_alloc : memref<!tpu.dma_semaphore, #tpu.memory_space<semaphore_mem>>
          %dma_start3A_146 = arith.constant 0 : i32
          %dma_start3A_147 = tpu.memref_slice %arg7[%add3A_120, %dma_start3A_146] : memref<40x128xi32, #tpu.memory_space<vmem>> -> memref<1x128xi32, #tpu.memory_space<vmem>>
          %dma_start3A_148 = tpu.memref_squeeze %dma_start3A_147 : memref<1x128xi32, #tpu.memory_space<vmem>> -> memref<128xi32, #tpu.memory_space<vmem>>
          %dma_start3A_149 = arith.constant 0 : i32
          %dma_start3A_150 = arith.constant 0 : i32
          %dma_start3A_151 = tpu.memref_slice %arg10[%dma_start3A_149, %dma_start3A_150] : memref<10240x128xf32, #tpu.memory_space<vmem_shared>> -> memref<10240x128xf32, #tpu.memory_space<vmem_shared>>
          tpu.enqueue_indirect_dma source(%arg9 : memref<128x128xf32, #tpu.memory_space<vmem>>) target(%dma_start3A_151 : memref<10240x128xf32, #tpu.memory_space<vmem_shared>>) offsets(%dma_start3A_148 : memref<128xi32, #tpu.memory_space<vmem>>) semaphore(%run_scoped3A : memref<!tpu.dma_semaphore, #tpu.memory_space<semaphore_mem>>) {add = true}
          %dma_wait3A_152 = arith.constant 0 : i32
          %dma_wait3A_153 = tpu.memref_slice %arg7[%add3A_120, %dma_wait3A_152] : memref<40x128xi32, #tpu.memory_space<vmem>> -> memref<1x128xi32, #tpu.memory_space<vmem>>
          %dma_wait3A_154 = tpu.memref_squeeze %dma_wait3A_153 : memref<1x128xi32, #tpu.memory_space<vmem>> -> memref<128xi32, #tpu.memory_space<vmem>>
          %dma_wait3A_155 = arith.constant 0 : i32
          %dma_wait3A_156 = arith.constant 0 : i32
          %dma_wait3A_157 = tpu.memref_slice %arg10[%dma_wait3A_155, %dma_wait3A_156] : memref<10240x128xf32, #tpu.memory_space<vmem_shared>> -> memref<10240x128xf32, #tpu.memory_space<vmem_shared>>
          tpu.wait_indirect_dma semaphore(%run_scoped3A : memref<!tpu.dma_semaphore, #tpu.memory_space<semaphore_mem>>) src(%arg9 : memref<128x128xf32, #tpu.memory_space<vmem>>) dst(%dma_wait3A_157 : memref<10240x128xf32, #tpu.memory_space<vmem_shared>>)
          tpu.yield
        }) : () -> ()
        %add3A_139 = arith.constant 2 : i32
        %add3A_140 = arith.addi %add3A_120, %add3A_139 : i32
        %lt3A_141 = arith.constant 40 : i32
        %lt3A_142 = arith.cmpi slt, %add3A_140, %lt3A_141 : i32
        %convert_element_type3A_143 = arith.extui %lt3A_142 : i1 to i32
        %cond3A_144 = arith.constant 0 : i32
        %cond3A_145 = arith.cmpi ne, %convert_element_type3A_143, %cond3A_144 : i32
        scf.if %cond3A_145 {
          %add3A_146 = arith.constant 2 : i32
          %add3A_147 = arith.addi %add3A_120, %add3A_146 : i32
          %dma_start3A_148 = arith.constant 0 : i32
          %dma_start3A_149 = arith.constant 0 : i32
          %dma_start3A_150 = tpu.memref_slice %arg9[%dma_start3A_148, %dma_start3A_149] : memref<128x128xf32, #tpu.memory_space<vmem>> -> memref<64x128xf32, #tpu.memory_space<vmem>>
          %dma_start3A_151 = arith.constant 0 : i32
          %dma_start3A_152 = tpu.memref_slice %arg6[%add3A_147, %dma_start3A_151] : memref<40x128xi32, #tpu.memory_space<vmem>> -> memref<1x64xi32, #tpu.memory_space<vmem>>
          %dma_start3A_153 = tpu.memref_squeeze %dma_start3A_152 : memref<1x64xi32, #tpu.memory_space<vmem>> -> memref<64xi32, #tpu.memory_space<vmem>>
          %dma_start3A_154 = arith.constant 0 : i32
          %dma_start3A_155 = arith.constant 0 : i32
          %dma_start3A_156 = tpu.memref_slice %arg2[%dma_start3A_154, %dma_start3A_155] : memref<10240x128xf32, #tpu.memory_space<hbm>> -> memref<10240x128xf32, #tpu.memory_space<hbm>>
          tpu.enqueue_indirect_dma source(%dma_start3A_156 : memref<10240x128xf32, #tpu.memory_space<hbm>>) target(%dma_start3A_150 : memref<64x128xf32, #tpu.memory_space<vmem>>) offsets(%dma_start3A_153 : memref<64xi32, #tpu.memory_space<vmem>>) semaphore(%arg14 : memref<!tpu.dma_semaphore, #tpu.memory_space<semaphore_mem>>)
          %dma_start3A_157 = arith.constant 64 : i32
          %dma_start3A_158 = arith.constant 0 : i32
          %dma_start3A_159 = tpu.memref_slice %arg9[%dma_start3A_157, %dma_start3A_158] : memref<128x128xf32, #tpu.memory_space<vmem>> -> memref<64x128xf32, #tpu.memory_space<vmem>>
          %dma_start3A_160 = arith.constant 64 : i32
          %dma_start3A_161 = tpu.memref_slice %arg6[%add3A_147, %dma_start3A_160] : memref<40x128xi32, #tpu.memory_space<vmem>> -> memref<1x64xi32, #tpu.memory_space<vmem>>
          %dma_start3A_162 = tpu.memref_squeeze %dma_start3A_161 : memref<1x64xi32, #tpu.memory_space<vmem>> -> memref<64xi32, #tpu.memory_space<vmem>>
          %dma_start3A_163 = arith.constant 0 : i32
          %dma_start3A_164 = arith.constant 0 : i32
          %dma_start3A_165 = tpu.memref_slice %arg2[%dma_start3A_163, %dma_start3A_164] : memref<10240x128xf32, #tpu.memory_space<hbm>> -> memref<10240x128xf32, #tpu.memory_space<hbm>>
          tpu.enqueue_indirect_dma source(%dma_start3A_165 : memref<10240x128xf32, #tpu.memory_space<hbm>>) target(%dma_start3A_159 : memref<64x128xf32, #tpu.memory_space<vmem>>) offsets(%dma_start3A_162 : memref<64xi32, #tpu.memory_space<vmem>>) semaphore(%arg15 : memref<!tpu.dma_semaphore, #tpu.memory_space<semaphore_mem>>)
        } else {
        }
      }
      %scan3A_89 = arith.constant 20 : i32
    }
    %scan3A_14 = arith.constant 2 : i32
    %barrier3A_15 = arith.constant 0 : index
    tpu.barrier barrier_id(%barrier3A_15)
    %scan3A_16 = arith.constant 0 : i32
    %scan3A_17 = arith.constant 5 : i32
    %scan3A_18 = arith.addi %scan3A_16, %scan3A_17 : i32
    %scan3A_19 = arith.constant 1 : i32
    scf.for %scan3A_21 = %scan3A_16 to %scan3A_18 step %scan3A_19  : i32 {
      %mul3A_22 = arith.constant 1 : i32
      %mul3A_23 = arith.muli %scan3A_21, %mul3A_22 : i32
      %add3A_24 = arith.constant 0 : i32
      %add3A_25 = arith.addi %add3A_24, %mul3A_23 : i32
      %mul3A_26 = arith.constant 640 : i32
      %mul3A_27 = arith.muli %arg1, %mul3A_26 : i32
      %mul3A_28 = arith.constant 128 : i32
      %mul3A_29 = arith.muli %add3A_25, %mul3A_28 : i32
      %add3A_30 = arith.addi %mul3A_27, %mul3A_29 : i32
      %mul3A_31 = arith.constant 10240 : i32
      %mul3A_32 = arith.muli %arg0, %mul3A_31 : i32
      %mul3A_33 = arith.constant 640 : i32
      %mul3A_34 = arith.muli %arg1, %mul3A_33 : i32
      %add3A_35 = arith.addi %mul3A_32, %mul3A_34 : i32
      %mul3A_36 = arith.constant 128 : i32
      %mul3A_37 = arith.muli %add3A_25, %mul3A_36 : i32
      %add3A_38 = arith.addi %add3A_35, %mul3A_37 : i32
      "tpu.region"() ({
        %run_scoped3A = tpu.sem_alloc : memref<!tpu.dma_semaphore, #tpu.memory_space<semaphore_mem>>
        %dma_start3A = arith.constant 0 : i32
        %dma_start3A_39 = tpu.memref_slice %arg5[%add3A_38, %dma_start3A] : memref<20480x128xf32, #tpu.memory_space<hbm>> -> memref<128x128xf32, #tpu.memory_space<hbm>>
        %dma_start3A_40 = arith.constant 0 : i32
        %dma_start3A_41 = tpu.memref_slice %arg10[%add3A_30, %dma_start3A_40] : memref<10240x128xf32, #tpu.memory_space<vmem_shared>> -> memref<128x128xf32, #tpu.memory_space<vmem_shared>>
        tpu.enqueue_dma source(%dma_start3A_41 : memref<128x128xf32, #tpu.memory_space<vmem_shared>>) target(%dma_start3A_39 : memref<128x128xf32, #tpu.memory_space<hbm>>) target_semaphore(%run_scoped3A : memref<!tpu.dma_semaphore, #tpu.memory_space<semaphore_mem>>)
        %dma_wait3A = arith.constant 0 : i32
        %dma_wait3A_42 = tpu.memref_slice %arg5[%add3A_38, %dma_wait3A] : memref<20480x128xf32, #tpu.memory_space<hbm>> -> memref<128x128xf32, #tpu.memory_space<hbm>>
        %dma_wait3A_43 = arith.constant 0 : i32
        %dma_wait3A_44 = tpu.memref_slice %arg10[%add3A_30, %dma_wait3A_43] : memref<10240x128xf32, #tpu.memory_space<vmem_shared>> -> memref<128x128xf32, #tpu.memory_space<vmem_shared>>
        tpu.wait_dma2 semaphore(%run_scoped3A : memref<!tpu.dma_semaphore, #tpu.memory_space<semaphore_mem>>) src(%dma_wait3A_44 : memref<128x128xf32, #tpu.memory_space<vmem_shared>>) dst(%dma_wait3A_42 : memref<128x128xf32, #tpu.memory_space<hbm>>)
        tpu.yield
      }) : () -> ()
    }
    %scan3A_20 = arith.constant 5 : i32
    return
  }
}

#map = affine_map<(d0, d1) -> (0, 0)>
module attributes {stable_mosaic.version = 14 : i64} {
  func.func @_sc_degree(%arg0: i32, %arg1: i32, %arg2: memref<2560x128xi32, #tpu.memory_space<hbm>>, %arg3: memref<20480x16xf32, #tpu.memory_space<hbm>>, %arg4: memref<80x128xi32, #tpu.memory_space<vmem>>, %arg5: memref<128x16xf32, #tpu.memory_space<vmem>>, %arg6: memref<128x16xf32, #tpu.memory_space<vmem>>, %arg7: memref<10240x16xf32, #tpu.memory_space<vmem_shared>>, %arg8: memref<!tpu.dma_semaphore, #tpu.memory_space<semaphore_mem>>) attributes {dimension_semantics = [#tpu.dimension_semantics<core_parallel>, #tpu.dimension_semantics<subcore_parallel>], iteration_bounds = array<i64: 2, 16>, scalar_prefetch = 0 : i64, scratch_operands = 5 : i64, tpu.core_type = #tpu.core_type<sc_vector_subcore>, window_params = [{transform_indices = #map}, {transform_indices = #map}]} {
    %mul3A = arith.constant 16 : i32
    %mul3A_0 = arith.muli %arg0, %mul3A : i32
    %add3A = arith.addi %mul3A_0, %arg1 : i32
    %scan3A = arith.constant 0 : i32
    %scan3A_1 = arith.constant 128 : i32
    %scan3A_2 = arith.addi %scan3A, %scan3A_1 : i32
    %scan3A_3 = arith.constant 1 : i32
    scf.for %scan3A_34 = %scan3A to %scan3A_2 step %scan3A_3  : i32 {
      %mul3A_35 = arith.constant 1 : i32
      %mul3A_36 = arith.muli %scan3A_34, %mul3A_35 : i32
      %add3A_37 = arith.constant 0 : i32
      %add3A_38 = arith.addi %add3A_37, %mul3A_36 : i32
      %broadcast_in_dim3A = arith.constant 0.000000e+00 : f32
      %broadcast_in_dim3A_39 = vector.broadcast %broadcast_in_dim3A : f32 to vector<16xf32>
      %swap3A = arith.index_cast %add3A_38 : i32 to index
      %swap3A_40 = arith.constant 0 : index
      %swap3A_41 = tpu.vector_load %arg6[%swap3A, %swap3A_40] {strides = array<i32>} : memref<128x16xf32, #tpu.memory_space<vmem>>, vector<1x16xf32>,
      %swap3A_42 = vector.shape_cast %swap3A_41 : vector<1x16xf32> to vector<16xf32>
      %swap3A_43 = vector.shape_cast %broadcast_in_dim3A_39 : vector<16xf32> to vector<1x16xf32>
      tpu.vector_store %arg6[%swap3A, %swap3A_40], %swap3A_43 {strides = array<i32>} : memref<128x16xf32, #tpu.memory_space<vmem>>, vector<1x16xf32>,
    }
    %scan3A_4 = arith.constant 128 : i32
    %scan3A_5 = arith.constant 0 : i32
    %scan3A_6 = arith.constant 128 : i32
    %scan3A_7 = arith.addi %scan3A_5, %scan3A_6 : i32
    %scan3A_8 = arith.constant 1 : i32
    scf.for %scan3A_34 = %scan3A_5 to %scan3A_7 step %scan3A_8  : i32 {
      %mul3A_35 = arith.constant 1 : i32
      %mul3A_36 = arith.muli %scan3A_34, %mul3A_35 : i32
      %add3A_37 = arith.constant 0 : i32
      %add3A_38 = arith.addi %add3A_37, %mul3A_36 : i32
      %broadcast_in_dim3A = arith.constant 1.000000e+00 : f32
      %broadcast_in_dim3A_39 = vector.broadcast %broadcast_in_dim3A : f32 to vector<16xf32>
      %swap3A = arith.index_cast %add3A_38 : i32 to index
      %swap3A_40 = arith.constant 0 : index
      %swap3A_41 = tpu.vector_load %arg5[%swap3A, %swap3A_40] {strides = array<i32>} : memref<128x16xf32, #tpu.memory_space<vmem>>, vector<1x16xf32>,
      %swap3A_42 = vector.shape_cast %swap3A_41 : vector<1x16xf32> to vector<16xf32>
      %swap3A_43 = vector.shape_cast %broadcast_in_dim3A_39 : vector<16xf32> to vector<1x16xf32>
      tpu.vector_store %arg5[%swap3A, %swap3A_40], %swap3A_43 {strides = array<i32>} : memref<128x16xf32, #tpu.memory_space<vmem>>, vector<1x16xf32>,
    }
    %scan3A_9 = arith.constant 128 : i32
    %scan3A_10 = arith.constant 0 : i32
    %scan3A_11 = arith.constant 5 : i32
    %scan3A_12 = arith.addi %scan3A_10, %scan3A_11 : i32
    %scan3A_13 = arith.constant 1 : i32
    scf.for %scan3A_34 = %scan3A_10 to %scan3A_12 step %scan3A_13  : i32 {
      %mul3A_35 = arith.constant 1 : i32
      %mul3A_36 = arith.muli %scan3A_34, %mul3A_35 : i32
      %add3A_37 = arith.constant 0 : i32
      %add3A_38 = arith.addi %add3A_37, %mul3A_36 : i32
      %mul3A_39 = arith.constant 640 : i32
      %mul3A_40 = arith.muli %arg1, %mul3A_39 : i32
      %mul3A_41 = arith.constant 128 : i32
      %mul3A_42 = arith.muli %add3A_38, %mul3A_41 : i32
      %add3A_43 = arith.addi %mul3A_40, %mul3A_42 : i32
      "tpu.region"() ({
        %run_scoped3A = tpu.sem_alloc : memref<!tpu.dma_semaphore, #tpu.memory_space<semaphore_mem>>
        %dma_start3A_44 = arith.constant 0 : i32
        %dma_start3A_45 = tpu.memref_slice %arg7[%add3A_43, %dma_start3A_44] : memref<10240x16xf32, #tpu.memory_space<vmem_shared>> -> memref<128x16xf32, #tpu.memory_space<vmem_shared>>
        %dma_start3A_46 = arith.constant 0 : i32
        %dma_start3A_47 = tpu.memref_slice %arg7[%add3A_43, %dma_start3A_46] : memref<10240x16xf32, #tpu.memory_space<vmem_shared>> -> memref<128x16xf32, #tpu.memory_space<vmem_shared>>
        tpu.enqueue_dma source(%arg6 : memref<128x16xf32, #tpu.memory_space<vmem>>) target(%dma_start3A_47 : memref<128x16xf32, #tpu.memory_space<vmem_shared>>) target_semaphore(%run_scoped3A : memref<!tpu.dma_semaphore, #tpu.memory_space<semaphore_mem>>)
        %dma_wait3A_48 = arith.constant 0 : i32
        %dma_wait3A_49 = tpu.memref_slice %arg7[%add3A_43, %dma_wait3A_48] : memref<10240x16xf32, #tpu.memory_space<vmem_shared>> -> memref<128x16xf32, #tpu.memory_space<vmem_shared>>
        %dma_wait3A_50 = arith.constant 0 : i32
        %dma_wait3A_51 = tpu.memref_slice %arg7[%add3A_43, %dma_wait3A_50] : memref<10240x16xf32, #tpu.memory_space<vmem_shared>> -> memref<128x16xf32, #tpu.memory_space<vmem_shared>>
        tpu.wait_dma2 semaphore(%run_scoped3A : memref<!tpu.dma_semaphore, #tpu.memory_space<semaphore_mem>>) src(%arg6 : memref<128x16xf32, #tpu.memory_space<vmem>>) dst(%dma_wait3A_51 : memref<128x16xf32, #tpu.memory_space<vmem_shared>>)
        tpu.yield
      }) : () -> ()
    }
    %scan3A_14 = arith.constant 5 : i32
    %mul3A_15 = arith.constant 80 : i32
    %mul3A_16 = arith.muli %add3A, %mul3A_15 : i32
    %dma_start3A = arith.constant 0 : i32
    %dma_start3A_17 = tpu.memref_slice %arg2[%mul3A_16, %dma_start3A] : memref<2560x128xi32, #tpu.memory_space<hbm>> -> memref<80x128xi32, #tpu.memory_space<hbm>>
    %dma_start3A_18 = arith.constant 0 : i32
    %dma_start3A_19 = tpu.memref_slice %arg2[%mul3A_16, %dma_start3A_18] : memref<2560x128xi32, #tpu.memory_space<hbm>> -> memref<80x128xi32, #tpu.memory_space<hbm>>
    tpu.enqueue_dma source(%dma_start3A_19 : memref<80x128xi32, #tpu.memory_space<hbm>>) target(%arg4 : memref<80x128xi32, #tpu.memory_space<vmem>>) target_semaphore(%arg8 : memref<!tpu.dma_semaphore, #tpu.memory_space<semaphore_mem>>)
    %dma_wait3A = arith.constant 0 : i32
    %dma_wait3A_20 = tpu.memref_slice %arg2[%mul3A_16, %dma_wait3A] : memref<2560x128xi32, #tpu.memory_space<hbm>> -> memref<80x128xi32, #tpu.memory_space<hbm>>
    %dma_wait3A_21 = arith.constant 0 : i32
    %dma_wait3A_22 = tpu.memref_slice %arg2[%mul3A_16, %dma_wait3A_21] : memref<2560x128xi32, #tpu.memory_space<hbm>> -> memref<80x128xi32, #tpu.memory_space<hbm>>
    tpu.wait_dma2 semaphore(%arg8 : memref<!tpu.dma_semaphore, #tpu.memory_space<semaphore_mem>>) src(%dma_wait3A_22 : memref<80x128xi32, #tpu.memory_space<hbm>>) dst(%arg4 : memref<80x128xi32, #tpu.memory_space<vmem>>)
    %barrier3A = arith.constant 0 : index
    tpu.barrier barrier_id(%barrier3A)
    %scan3A_23 = arith.constant 0 : i32
    %scan3A_24 = arith.constant 80 : i32
    %scan3A_25 = arith.addi %scan3A_23, %scan3A_24 : i32
    %scan3A_26 = arith.constant 1 : i32
    scf.for %scan3A_34 = %scan3A_23 to %scan3A_25 step %scan3A_26  : i32 {
      %mul3A_35 = arith.constant 1 : i32
      %mul3A_36 = arith.muli %scan3A_34, %mul3A_35 : i32
      %add3A_37 = arith.constant 0 : i32
      %add3A_38 = arith.addi %add3A_37, %mul3A_36 : i32
      "tpu.region"() ({
        %run_scoped3A = tpu.sem_alloc : memref<!tpu.dma_semaphore, #tpu.memory_space<semaphore_mem>>
        %dma_start3A_39 = arith.constant 0 : i32
        %dma_start3A_40 = tpu.memref_slice %arg4[%add3A_38, %dma_start3A_39] : memref<80x128xi32, #tpu.memory_space<vmem>> -> memref<1x128xi32, #tpu.memory_space<vmem>>
        %dma_start3A_41 = tpu.memref_squeeze %dma_start3A_40 : memref<1x128xi32, #tpu.memory_space<vmem>> -> memref<128xi32, #tpu.memory_space<vmem>>
        %dma_start3A_42 = arith.constant 0 : i32
        %dma_start3A_43 = arith.constant 0 : i32
        %dma_start3A_44 = tpu.memref_slice %arg7[%dma_start3A_42, %dma_start3A_43] : memref<10240x16xf32, #tpu.memory_space<vmem_shared>> -> memref<10240x16xf32, #tpu.memory_space<vmem_shared>>
        tpu.enqueue_indirect_dma source(%arg5 : memref<128x16xf32, #tpu.memory_space<vmem>>) target(%dma_start3A_44 : memref<10240x16xf32, #tpu.memory_space<vmem_shared>>) offsets(%dma_start3A_41 : memref<128xi32, #tpu.memory_space<vmem>>) semaphore(%run_scoped3A : memref<!tpu.dma_semaphore, #tpu.memory_space<semaphore_mem>>) {add = true}
        %dma_wait3A_45 = arith.constant 0 : i32
        %dma_wait3A_46 = tpu.memref_slice %arg4[%add3A_38, %dma_wait3A_45] : memref<80x128xi32, #tpu.memory_space<vmem>> -> memref<1x128xi32, #tpu.memory_space<vmem>>
        %dma_wait3A_47 = tpu.memref_squeeze %dma_wait3A_46 : memref<1x128xi32, #tpu.memory_space<vmem>> -> memref<128xi32, #tpu.memory_space<vmem>>
        %dma_wait3A_48 = arith.constant 0 : i32
        %dma_wait3A_49 = arith.constant 0 : i32
        %dma_wait3A_50 = tpu.memref_slice %arg7[%dma_wait3A_48, %dma_wait3A_49] : memref<10240x16xf32, #tpu.memory_space<vmem_shared>> -> memref<10240x16xf32, #tpu.memory_space<vmem_shared>>
        tpu.wait_indirect_dma semaphore(%run_scoped3A : memref<!tpu.dma_semaphore, #tpu.memory_space<semaphore_mem>>) src(%arg5 : memref<128x16xf32, #tpu.memory_space<vmem>>) dst(%dma_wait3A_50 : memref<10240x16xf32, #tpu.memory_space<vmem_shared>>)
        tpu.yield
      }) : () -> ()
    }
    %scan3A_27 = arith.constant 80 : i32
    %barrier3A_28 = arith.constant 0 : index
    tpu.barrier barrier_id(%barrier3A_28)
    %scan3A_29 = arith.constant 0 : i32
    %scan3A_30 = arith.constant 5 : i32
    %scan3A_31 = arith.addi %scan3A_29, %scan3A_30 : i32
    %scan3A_32 = arith.constant 1 : i32
    scf.for %scan3A_34 = %scan3A_29 to %scan3A_31 step %scan3A_32  : i32 {
      %mul3A_35 = arith.constant 1 : i32
      %mul3A_36 = arith.muli %scan3A_34, %mul3A_35 : i32
      %add3A_37 = arith.constant 0 : i32
      %add3A_38 = arith.addi %add3A_37, %mul3A_36 : i32
      %mul3A_39 = arith.constant 640 : i32
      %mul3A_40 = arith.muli %arg1, %mul3A_39 : i32
      %mul3A_41 = arith.constant 128 : i32
      %mul3A_42 = arith.muli %add3A_38, %mul3A_41 : i32
      %add3A_43 = arith.addi %mul3A_40, %mul3A_42 : i32
      %mul3A_44 = arith.constant 10240 : i32
      %mul3A_45 = arith.muli %arg0, %mul3A_44 : i32
      %mul3A_46 = arith.constant 640 : i32
      %mul3A_47 = arith.muli %arg1, %mul3A_46 : i32
      %add3A_48 = arith.addi %mul3A_45, %mul3A_47 : i32
      %mul3A_49 = arith.constant 128 : i32
      %mul3A_50 = arith.muli %add3A_38, %mul3A_49 : i32
      %add3A_51 = arith.addi %add3A_48, %mul3A_50 : i32
      "tpu.region"() ({
        %run_scoped3A = tpu.sem_alloc : memref<!tpu.dma_semaphore, #tpu.memory_space<semaphore_mem>>
        %dma_start3A_52 = arith.constant 0 : i32
        %dma_start3A_53 = tpu.memref_slice %arg3[%add3A_51, %dma_start3A_52] : memref<20480x16xf32, #tpu.memory_space<hbm>> -> memref<128x16xf32, #tpu.memory_space<hbm>>
        %dma_start3A_54 = arith.constant 0 : i32
        %dma_start3A_55 = tpu.memref_slice %arg7[%add3A_43, %dma_start3A_54] : memref<10240x16xf32, #tpu.memory_space<vmem_shared>> -> memref<128x16xf32, #tpu.memory_space<vmem_shared>>
        tpu.enqueue_dma source(%dma_start3A_55 : memref<128x16xf32, #tpu.memory_space<vmem_shared>>) target(%dma_start3A_53 : memref<128x16xf32, #tpu.memory_space<hbm>>) target_semaphore(%run_scoped3A : memref<!tpu.dma_semaphore, #tpu.memory_space<semaphore_mem>>)
        %dma_wait3A_56 = arith.constant 0 : i32
        %dma_wait3A_57 = tpu.memref_slice %arg3[%add3A_51, %dma_wait3A_56] : memref<20480x16xf32, #tpu.memory_space<hbm>> -> memref<128x16xf32, #tpu.memory_space<hbm>>
        %dma_wait3A_58 = arith.constant 0 : i32
        %dma_wait3A_59 = tpu.memref_slice %arg7[%add3A_43, %dma_wait3A_58] : memref<10240x16xf32, #tpu.memory_space<vmem_shared>> -> memref<128x16xf32, #tpu.memory_space<vmem_shared>>
        tpu.wait_dma2 semaphore(%run_scoped3A : memref<!tpu.dma_semaphore, #tpu.memory_space<semaphore_mem>>) src(%dma_wait3A_59 : memref<128x16xf32, #tpu.memory_space<vmem_shared>>) dst(%dma_wait3A_57 : memref<128x16xf32, #tpu.memory_space<hbm>>)
        tpu.yield
      }) : () -> ()
    }
    %scan3A_33 = arith.constant 5 : i32
    return
  }
}

#map = affine_map<(d0, d1) -> (0, 0)>
module attributes {stable_mosaic.version = 14 : i64} {
  func.func @_sc_edge(%arg0: i32, %arg1: i32, %arg2: memref<10240x128xf32, #tpu.memory_space<hbm>>, %arg3: memref<2560x128xi32, #tpu.memory_space<hbm>>, %arg4: memref<2560x128xi32, #tpu.memory_space<hbm>>, %arg5: memref<20480x128xf32, #tpu.memory_space<hbm>>, %arg6: memref<40x128xi32, #tpu.memory_space<vmem>>, %arg7: memref<40x128xi32, #tpu.memory_space<vmem>>, %arg8: memref<128x128xf32, #tpu.memory_space<vmem>>, %arg9: memref<128x128xf32, #tpu.memory_space<vmem>>, %arg10: memref<10240x128xf32, #tpu.memory_space<vmem_shared>>, %arg11: memref<!tpu.dma_semaphore, #tpu.memory_space<semaphore_mem>>, %arg12: memref<!tpu.dma_semaphore, #tpu.memory_space<semaphore_mem>>, %arg13: memref<!tpu.dma_semaphore, #tpu.memory_space<semaphore_mem>>, %arg14: memref<!tpu.dma_semaphore, #tpu.memory_space<semaphore_mem>>, %arg15: memref<!tpu.dma_semaphore, #tpu.memory_space<semaphore_mem>>) attributes {dimension_semantics = [#tpu.dimension_semantics<core_parallel>, #tpu.dimension_semantics<subcore_parallel>], iteration_bounds = array<i64: 2, 16>, scalar_prefetch = 0 : i64, scratch_operands = 10 : i64, tpu.core_type = #tpu.core_type<sc_vector_subcore>, window_params = [{transform_indices = #map}, {transform_indices = #map}, {transform_indices = #map}, {transform_indices = #map}]} {
    %mul3A = arith.constant 16 : i32
    %mul3A_0 = arith.muli %arg0, %mul3A : i32
    %add3A = arith.addi %mul3A_0, %arg1 : i32
    %scan3A = arith.constant 0 : i32
    %scan3A_1 = arith.constant 128 : i32
    %scan3A_2 = arith.addi %scan3A, %scan3A_1 : i32
    %scan3A_3 = arith.constant 1 : i32
    scf.for %scan3A_21 = %scan3A to %scan3A_2 step %scan3A_3  : i32 {
      %mul3A_22 = arith.constant 1 : i32
      %mul3A_23 = arith.muli %scan3A_21, %mul3A_22 : i32
      %add3A_24 = arith.constant 0 : i32
      %add3A_25 = arith.addi %add3A_24, %mul3A_23 : i32
      %scan3A_26 = arith.constant 0 : i32
      %scan3A_27 = arith.constant 8 : i32
      %scan3A_28 = arith.addi %scan3A_26, %scan3A_27 : i32
      %scan3A_29 = arith.constant 1 : i32
      scf.for %scan3A_31 = %scan3A_26 to %scan3A_28 step %scan3A_29  : i32 {
        %mul3A_32 = arith.constant 1 : i32
        %mul3A_33 = arith.muli %scan3A_31, %mul3A_32 : i32
        %add3A_34 = arith.constant 0 : i32
        %add3A_35 = arith.addi %add3A_34, %mul3A_33 : i32
        %broadcast_in_dim3A = arith.constant 0.000000e+00 : f32
        %broadcast_in_dim3A_36 = vector.broadcast %broadcast_in_dim3A : f32 to vector<16xf32>
        %mul3A_37 = arith.constant 16 : i32
        %mul3A_38 = arith.muli %add3A_35, %mul3A_37 : i32
        %swap3A = arith.index_cast %add3A_25 : i32 to index
        %swap3A_39 = arith.index_cast %mul3A_38 : i32 to index
        %swap3A_40 = tpu.vector_load %arg8[%swap3A, %swap3A_39] {strides = array<i32>} : memref<128x128xf32, #tpu.memory_space<vmem>>, vector<1x16xf32>,
        %swap3A_41 = vector.shape_cast %swap3A_40 : vector<1x16xf32> to vector<16xf32>
        %swap3A_42 = vector.shape_cast %broadcast_in_dim3A_36 : vector<16xf32> to vector<1x16xf32>
        tpu.vector_store %arg8[%swap3A, %swap3A_39], %swap3A_42 {strides = array<i32>} : memref<128x128xf32, #tpu.memory_space<vmem>>, vector<1x16xf32>,
      }
      %scan3A_30 = arith.constant 8 : i32
    }
    %scan3A_4 = arith.constant 128 : i32
    %scan3A_5 = arith.constant 0 : i32
    %scan3A_6 = arith.constant 5 : i32
    %scan3A_7 = arith.addi %scan3A_5, %scan3A_6 : i32
    %scan3A_8 = arith.constant 1 : i32
    scf.for %scan3A_21 = %scan3A_5 to %scan3A_7 step %scan3A_8  : i32 {
      %mul3A_22 = arith.constant 1 : i32
      %mul3A_23 = arith.muli %scan3A_21, %mul3A_22 : i32
      %add3A_24 = arith.constant 0 : i32
      %add3A_25 = arith.addi %add3A_24, %mul3A_23 : i32
      %mul3A_26 = arith.constant 640 : i32
      %mul3A_27 = arith.muli %arg1, %mul3A_26 : i32
      %mul3A_28 = arith.constant 128 : i32
      %mul3A_29 = arith.muli %add3A_25, %mul3A_28 : i32
      %add3A_30 = arith.addi %mul3A_27, %mul3A_29 : i32
      "tpu.region"() ({
        %run_scoped3A = tpu.sem_alloc : memref<!tpu.dma_semaphore, #tpu.memory_space<semaphore_mem>>
        %dma_start3A = arith.constant 0 : i32
        %dma_start3A_31 = tpu.memref_slice %arg10[%add3A_30, %dma_start3A] : memref<10240x128xf32, #tpu.memory_space<vmem_shared>> -> memref<128x128xf32, #tpu.memory_space<vmem_shared>>
        %dma_start3A_32 = arith.constant 0 : i32
        %dma_start3A_33 = tpu.memref_slice %arg10[%add3A_30, %dma_start3A_32] : memref<10240x128xf32, #tpu.memory_space<vmem_shared>> -> memref<128x128xf32, #tpu.memory_space<vmem_shared>>
        tpu.enqueue_dma source(%arg8 : memref<128x128xf32, #tpu.memory_space<vmem>>) target(%dma_start3A_33 : memref<128x128xf32, #tpu.memory_space<vmem_shared>>) target_semaphore(%run_scoped3A : memref<!tpu.dma_semaphore, #tpu.memory_space<semaphore_mem>>)
        %dma_wait3A = arith.constant 0 : i32
        %dma_wait3A_34 = tpu.memref_slice %arg10[%add3A_30, %dma_wait3A] : memref<10240x128xf32, #tpu.memory_space<vmem_shared>> -> memref<128x128xf32, #tpu.memory_space<vmem_shared>>
        %dma_wait3A_35 = arith.constant 0 : i32
        %dma_wait3A_36 = tpu.memref_slice %arg10[%add3A_30, %dma_wait3A_35] : memref<10240x128xf32, #tpu.memory_space<vmem_shared>> -> memref<128x128xf32, #tpu.memory_space<vmem_shared>>
        tpu.wait_dma2 semaphore(%run_scoped3A : memref<!tpu.dma_semaphore, #tpu.memory_space<semaphore_mem>>) src(%arg8 : memref<128x128xf32, #tpu.memory_space<vmem>>) dst(%dma_wait3A_36 : memref<128x128xf32, #tpu.memory_space<vmem_shared>>)
        tpu.yield
      }) : () -> ()
    }
    %scan3A_9 = arith.constant 5 : i32
    %barrier3A = arith.constant 0 : index
    tpu.barrier barrier_id(%barrier3A)
    %scan3A_10 = arith.constant 0 : i32
    %scan3A_11 = arith.constant 2 : i32
    %scan3A_12 = arith.addi %scan3A_10, %scan3A_11 : i32
    %scan3A_13 = arith.constant 1 : i32
    scf.for %scan3A_21 = %scan3A_10 to %scan3A_12 step %scan3A_13  : i32 {
      %mul3A_22 = arith.constant 1 : i32
      %mul3A_23 = arith.muli %scan3A_21, %mul3A_22 : i32
      %add3A_24 = arith.constant 0 : i32
      %add3A_25 = arith.addi %add3A_24, %mul3A_23 : i32
      %mul3A_26 = arith.constant 80 : i32
      %mul3A_27 = arith.muli %add3A, %mul3A_26 : i32
      %mul3A_28 = arith.constant 40 : i32
      %mul3A_29 = arith.muli %add3A_25, %mul3A_28 : i32
      %add3A_30 = arith.addi %mul3A_27, %mul3A_29 : i32
      %dma_start3A = arith.constant 0 : i32
      %dma_start3A_31 = tpu.memref_slice %arg3[%add3A_30, %dma_start3A] : memref<2560x128xi32, #tpu.memory_space<hbm>> -> memref<40x128xi32, #tpu.memory_space<hbm>>
      %dma_start3A_32 = arith.constant 0 : i32
      %dma_start3A_33 = tpu.memref_slice %arg3[%add3A_30, %dma_start3A_32] : memref<2560x128xi32, #tpu.memory_space<hbm>> -> memref<40x128xi32, #tpu.memory_space<hbm>>
      tpu.enqueue_dma source(%dma_start3A_33 : memref<40x128xi32, #tpu.memory_space<hbm>>) target(%arg6 : memref<40x128xi32, #tpu.memory_space<vmem>>) target_semaphore(%arg11 : memref<!tpu.dma_semaphore, #tpu.memory_space<semaphore_mem>>)
      %dma_wait3A = arith.constant 0 : i32
      %dma_wait3A_34 = tpu.memref_slice %arg3[%add3A_30, %dma_wait3A] : memref<2560x128xi32, #tpu.memory_space<hbm>> -> memref<40x128xi32, #tpu.memory_space<hbm>>
      %dma_wait3A_35 = arith.constant 0 : i32
      %dma_wait3A_36 = tpu.memref_slice %arg3[%add3A_30, %dma_wait3A_35] : memref<2560x128xi32, #tpu.memory_space<hbm>> -> memref<40x128xi32, #tpu.memory_space<hbm>>
      tpu.wait_dma2 semaphore(%arg11 : memref<!tpu.dma_semaphore, #tpu.memory_space<semaphore_mem>>) src(%dma_wait3A_36 : memref<40x128xi32, #tpu.memory_space<hbm>>) dst(%arg6 : memref<40x128xi32, #tpu.memory_space<vmem>>)
      %dma_start3A_37 = arith.constant 0 : i32
      %dma_start3A_38 = tpu.memref_slice %arg4[%add3A_30, %dma_start3A_37] : memref<2560x128xi32, #tpu.memory_space<hbm>> -> memref<40x128xi32, #tpu.memory_space<hbm>>
      %dma_start3A_39 = arith.constant 0 : i32
      %dma_start3A_40 = tpu.memref_slice %arg4[%add3A_30, %dma_start3A_39] : memref<2560x128xi32, #tpu.memory_space<hbm>> -> memref<40x128xi32, #tpu.memory_space<hbm>>
      tpu.enqueue_dma source(%dma_start3A_40 : memref<40x128xi32, #tpu.memory_space<hbm>>) target(%arg7 : memref<40x128xi32, #tpu.memory_space<vmem>>) target_semaphore(%arg11 : memref<!tpu.dma_semaphore, #tpu.memory_space<semaphore_mem>>)
      %dma_wait3A_41 = arith.constant 0 : i32
      %dma_wait3A_42 = tpu.memref_slice %arg4[%add3A_30, %dma_wait3A_41] : memref<2560x128xi32, #tpu.memory_space<hbm>> -> memref<40x128xi32, #tpu.memory_space<hbm>>
      %dma_wait3A_43 = arith.constant 0 : i32
      %dma_wait3A_44 = tpu.memref_slice %arg4[%add3A_30, %dma_wait3A_43] : memref<2560x128xi32, #tpu.memory_space<hbm>> -> memref<40x128xi32, #tpu.memory_space<hbm>>
      tpu.wait_dma2 semaphore(%arg11 : memref<!tpu.dma_semaphore, #tpu.memory_space<semaphore_mem>>) src(%dma_wait3A_44 : memref<40x128xi32, #tpu.memory_space<hbm>>) dst(%arg7 : memref<40x128xi32, #tpu.memory_space<vmem>>)
      %dma_start3A_45 = arith.constant 0 : i32
      %dma_start3A_46 = arith.constant 0 : i32
      %dma_start3A_47 = arith.constant 0 : i32
      %dma_start3A_48 = tpu.memref_slice %arg8[%dma_start3A_46, %dma_start3A_47] : memref<128x128xf32, #tpu.memory_space<vmem>> -> memref<64x128xf32, #tpu.memory_space<vmem>>
      %dma_start3A_49 = arith.constant 0 : i32
      %dma_start3A_50 = tpu.memref_slice %arg6[%dma_start3A_45, %dma_start3A_49] : memref<40x128xi32, #tpu.memory_space<vmem>> -> memref<1x64xi32, #tpu.memory_space<vmem>>
      %dma_start3A_51 = tpu.memref_squeeze %dma_start3A_50 : memref<1x64xi32, #tpu.memory_space<vmem>> -> memref<64xi32, #tpu.memory_space<vmem>>
      %dma_start3A_52 = arith.constant 0 : i32
      %dma_start3A_53 = arith.constant 0 : i32
      %dma_start3A_54 = tpu.memref_slice %arg2[%dma_start3A_52, %dma_start3A_53] : memref<10240x128xf32, #tpu.memory_space<hbm>> -> memref<10240x128xf32, #tpu.memory_space<hbm>>
      tpu.enqueue_indirect_dma source(%dma_start3A_54 : memref<10240x128xf32, #tpu.memory_space<hbm>>) target(%dma_start3A_48 : memref<64x128xf32, #tpu.memory_space<vmem>>) offsets(%dma_start3A_51 : memref<64xi32, #tpu.memory_space<vmem>>) semaphore(%arg12 : memref<!tpu.dma_semaphore, #tpu.memory_space<semaphore_mem>>)
      %dma_start3A_55 = arith.constant 0 : i32
      %dma_start3A_56 = arith.constant 64 : i32
      %dma_start3A_57 = arith.constant 0 : i32
      %dma_start3A_58 = tpu.memref_slice %arg8[%dma_start3A_56, %dma_start3A_57] : memref<128x128xf32, #tpu.memory_space<vmem>> -> memref<64x128xf32, #tpu.memory_space<vmem>>
      %dma_start3A_59 = arith.constant 64 : i32
      %dma_start3A_60 = tpu.memref_slice %arg6[%dma_start3A_55, %dma_start3A_59] : memref<40x128xi32, #tpu.memory_space<vmem>> -> memref<1x64xi32, #tpu.memory_space<vmem>>
      %dma_start3A_61 = tpu.memref_squeeze %dma_start3A_60 : memref<1x64xi32, #tpu.memory_space<vmem>> -> memref<64xi32, #tpu.memory_space<vmem>>
      %dma_start3A_62 = arith.constant 0 : i32
      %dma_start3A_63 = arith.constant 0 : i32
      %dma_start3A_64 = tpu.memref_slice %arg2[%dma_start3A_62, %dma_start3A_63] : memref<10240x128xf32, #tpu.memory_space<hbm>> -> memref<10240x128xf32, #tpu.memory_space<hbm>>
      tpu.enqueue_indirect_dma source(%dma_start3A_64 : memref<10240x128xf32, #tpu.memory_space<hbm>>) target(%dma_start3A_58 : memref<64x128xf32, #tpu.memory_space<vmem>>) offsets(%dma_start3A_61 : memref<64xi32, #tpu.memory_space<vmem>>) semaphore(%arg13 : memref<!tpu.dma_semaphore, #tpu.memory_space<semaphore_mem>>)
      %dma_start3A_65 = arith.constant 1 : i32
      %dma_start3A_66 = arith.constant 0 : i32
      %dma_start3A_67 = arith.constant 0 : i32
      %dma_start3A_68 = tpu.memref_slice %arg9[%dma_start3A_66, %dma_start3A_67] : memref<128x128xf32, #tpu.memory_space<vmem>> -> memref<64x128xf32, #tpu.memory_space<vmem>>
      %dma_start3A_69 = arith.constant 0 : i32
      %dma_start3A_70 = tpu.memref_slice %arg6[%dma_start3A_65, %dma_start3A_69] : memref<40x128xi32, #tpu.memory_space<vmem>> -> memref<1x64xi32, #tpu.memory_space<vmem>>
      %dma_start3A_71 = tpu.memref_squeeze %dma_start3A_70 : memref<1x64xi32, #tpu.memory_space<vmem>> -> memref<64xi32, #tpu.memory_space<vmem>>
      %dma_start3A_72 = arith.constant 0 : i32
      %dma_start3A_73 = arith.constant 0 : i32
      %dma_start3A_74 = tpu.memref_slice %arg2[%dma_start3A_72, %dma_start3A_73] : memref<10240x128xf32, #tpu.memory_space<hbm>> -> memref<10240x128xf32, #tpu.memory_space<hbm>>
      tpu.enqueue_indirect_dma source(%dma_start3A_74 : memref<10240x128xf32, #tpu.memory_space<hbm>>) target(%dma_start3A_68 : memref<64x128xf32, #tpu.memory_space<vmem>>) offsets(%dma_start3A_71 : memref<64xi32, #tpu.memory_space<vmem>>) semaphore(%arg14 : memref<!tpu.dma_semaphore, #tpu.memory_space<semaphore_mem>>)
      %dma_start3A_75 = arith.constant 1 : i32
      %dma_start3A_76 = arith.constant 64 : i32
      %dma_start3A_77 = arith.constant 0 : i32
      %dma_start3A_78 = tpu.memref_slice %arg9[%dma_start3A_76, %dma_start3A_77] : memref<128x128xf32, #tpu.memory_space<vmem>> -> memref<64x128xf32, #tpu.memory_space<vmem>>
      %dma_start3A_79 = arith.constant 64 : i32
      %dma_start3A_80 = tpu.memref_slice %arg6[%dma_start3A_75, %dma_start3A_79] : memref<40x128xi32, #tpu.memory_space<vmem>> -> memref<1x64xi32, #tpu.memory_space<vmem>>
      %dma_start3A_81 = tpu.memref_squeeze %dma_start3A_80 : memref<1x64xi32, #tpu.memory_space<vmem>> -> memref<64xi32, #tpu.memory_space<vmem>>
      %dma_start3A_82 = arith.constant 0 : i32
      %dma_start3A_83 = arith.constant 0 : i32
      %dma_start3A_84 = tpu.memref_slice %arg2[%dma_start3A_82, %dma_start3A_83] : memref<10240x128xf32, #tpu.memory_space<hbm>> -> memref<10240x128xf32, #tpu.memory_space<hbm>>
      tpu.enqueue_indirect_dma source(%dma_start3A_84 : memref<10240x128xf32, #tpu.memory_space<hbm>>) target(%dma_start3A_78 : memref<64x128xf32, #tpu.memory_space<vmem>>) offsets(%dma_start3A_81 : memref<64xi32, #tpu.memory_space<vmem>>) semaphore(%arg15 : memref<!tpu.dma_semaphore, #tpu.memory_space<semaphore_mem>>)
      %scan3A_85 = arith.constant 0 : i32
      %scan3A_86 = arith.constant 20 : i32
      %scan3A_87 = arith.addi %scan3A_85, %scan3A_86 : i32
      %scan3A_88 = arith.constant 1 : i32
      scf.for %scan3A_90 = %scan3A_85 to %scan3A_87 step %scan3A_88  : i32 {
        %mul3A_91 = arith.constant 2 : i32
        %mul3A_92 = arith.muli %scan3A_90, %mul3A_91 : i32
        %add3A_93 = arith.constant 0 : i32
        %add3A_94 = arith.addi %add3A_93, %mul3A_92 : i32
        %add3A_95 = arith.constant 0 : i32
        %add3A_96 = arith.addi %add3A_94, %add3A_95 : i32
        %dma_wait3A_97 = arith.constant 0 : i32
        %dma_wait3A_98 = arith.constant 0 : i32
        %dma_wait3A_99 = tpu.memref_slice %arg8[%dma_wait3A_97, %dma_wait3A_98] : memref<128x128xf32, #tpu.memory_space<vmem>> -> memref<64x128xf32, #tpu.memory_space<vmem>>
        %dma_wait3A_100 = arith.constant 0 : i32
        %dma_wait3A_101 = tpu.memref_slice %arg6[%add3A_96, %dma_wait3A_100] : memref<40x128xi32, #tpu.memory_space<vmem>> -> memref<1x64xi32, #tpu.memory_space<vmem>>
        %dma_wait3A_102 = tpu.memref_squeeze %dma_wait3A_101 : memref<1x64xi32, #tpu.memory_space<vmem>> -> memref<64xi32, #tpu.memory_space<vmem>>
        %dma_wait3A_103 = arith.constant 0 : i32
        %dma_wait3A_104 = arith.constant 0 : i32
        %dma_wait3A_105 = tpu.memref_slice %arg2[%dma_wait3A_103, %dma_wait3A_104] : memref<10240x128xf32, #tpu.memory_space<hbm>> -> memref<10240x128xf32, #tpu.memory_space<hbm>>
        tpu.wait_indirect_dma semaphore(%arg12 : memref<!tpu.dma_semaphore, #tpu.memory_space<semaphore_mem>>) src(%dma_wait3A_105 : memref<10240x128xf32, #tpu.memory_space<hbm>>) dst(%dma_wait3A_99 : memref<64x128xf32, #tpu.memory_space<vmem>>)
        %dma_wait3A_106 = arith.constant 64 : i32
        %dma_wait3A_107 = arith.constant 0 : i32
        %dma_wait3A_108 = tpu.memref_slice %arg8[%dma_wait3A_106, %dma_wait3A_107] : memref<128x128xf32, #tpu.memory_space<vmem>> -> memref<64x128xf32, #tpu.memory_space<vmem>>
        %dma_wait3A_109 = arith.constant 64 : i32
        %dma_wait3A_110 = tpu.memref_slice %arg6[%add3A_96, %dma_wait3A_109] : memref<40x128xi32, #tpu.memory_space<vmem>> -> memref<1x64xi32, #tpu.memory_space<vmem>>
        %dma_wait3A_111 = tpu.memref_squeeze %dma_wait3A_110 : memref<1x64xi32, #tpu.memory_space<vmem>> -> memref<64xi32, #tpu.memory_space<vmem>>
        %dma_wait3A_112 = arith.constant 0 : i32
        %dma_wait3A_113 = arith.constant 0 : i32
        %dma_wait3A_114 = tpu.memref_slice %arg2[%dma_wait3A_112, %dma_wait3A_113] : memref<10240x128xf32, #tpu.memory_space<hbm>> -> memref<10240x128xf32, #tpu.memory_space<hbm>>
        tpu.wait_indirect_dma semaphore(%arg13 : memref<!tpu.dma_semaphore, #tpu.memory_space<semaphore_mem>>) src(%dma_wait3A_114 : memref<10240x128xf32, #tpu.memory_space<hbm>>) dst(%dma_wait3A_108 : memref<64x128xf32, #tpu.memory_space<vmem>>)
        "tpu.region"() ({
          %run_scoped3A = tpu.sem_alloc : memref<!tpu.dma_semaphore, #tpu.memory_space<semaphore_mem>>
          %dma_start3A_146 = arith.constant 0 : i32
          %dma_start3A_147 = tpu.memref_slice %arg7[%add3A_96, %dma_start3A_146] : memref<40x128xi32, #tpu.memory_space<vmem>> -> memref<1x128xi32, #tpu.memory_space<vmem>>
          %dma_start3A_148 = tpu.memref_squeeze %dma_start3A_147 : memref<1x128xi32, #tpu.memory_space<vmem>> -> memref<128xi32, #tpu.memory_space<vmem>>
          %dma_start3A_149 = arith.constant 0 : i32
          %dma_start3A_150 = arith.constant 0 : i32
          %dma_start3A_151 = tpu.memref_slice %arg10[%dma_start3A_149, %dma_start3A_150] : memref<10240x128xf32, #tpu.memory_space<vmem_shared>> -> memref<10240x128xf32, #tpu.memory_space<vmem_shared>>
          tpu.enqueue_indirect_dma source(%arg8 : memref<128x128xf32, #tpu.memory_space<vmem>>) target(%dma_start3A_151 : memref<10240x128xf32, #tpu.memory_space<vmem_shared>>) offsets(%dma_start3A_148 : memref<128xi32, #tpu.memory_space<vmem>>) semaphore(%run_scoped3A : memref<!tpu.dma_semaphore, #tpu.memory_space<semaphore_mem>>) {add = true}
          %dma_wait3A_152 = arith.constant 0 : i32
          %dma_wait3A_153 = tpu.memref_slice %arg7[%add3A_96, %dma_wait3A_152] : memref<40x128xi32, #tpu.memory_space<vmem>> -> memref<1x128xi32, #tpu.memory_space<vmem>>
          %dma_wait3A_154 = tpu.memref_squeeze %dma_wait3A_153 : memref<1x128xi32, #tpu.memory_space<vmem>> -> memref<128xi32, #tpu.memory_space<vmem>>
          %dma_wait3A_155 = arith.constant 0 : i32
          %dma_wait3A_156 = arith.constant 0 : i32
          %dma_wait3A_157 = tpu.memref_slice %arg10[%dma_wait3A_155, %dma_wait3A_156] : memref<10240x128xf32, #tpu.memory_space<vmem_shared>> -> memref<10240x128xf32, #tpu.memory_space<vmem_shared>>
          tpu.wait_indirect_dma semaphore(%run_scoped3A : memref<!tpu.dma_semaphore, #tpu.memory_space<semaphore_mem>>) src(%arg8 : memref<128x128xf32, #tpu.memory_space<vmem>>) dst(%dma_wait3A_157 : memref<10240x128xf32, #tpu.memory_space<vmem_shared>>)
          tpu.yield
        }) : () -> ()
        %add3A_115 = arith.constant 2 : i32
        %add3A_116 = arith.addi %add3A_96, %add3A_115 : i32
        %lt3A = arith.constant 40 : i32
        %lt3A_117 = arith.cmpi slt, %add3A_116, %lt3A : i32
        %convert_element_type3A = arith.extui %lt3A_117 : i1 to i32
        %cond3A = arith.constant 0 : i32
        %cond3A_118 = arith.cmpi ne, %convert_element_type3A, %cond3A : i32
        scf.if %cond3A_118 {
          %add3A_146 = arith.constant 2 : i32
          %add3A_147 = arith.addi %add3A_96, %add3A_146 : i32
          %dma_start3A_148 = arith.constant 0 : i32
          %dma_start3A_149 = arith.constant 0 : i32
          %dma_start3A_150 = tpu.memref_slice %arg8[%dma_start3A_148, %dma_start3A_149] : memref<128x128xf32, #tpu.memory_space<vmem>> -> memref<64x128xf32, #tpu.memory_space<vmem>>
          %dma_start3A_151 = arith.constant 0 : i32
          %dma_start3A_152 = tpu.memref_slice %arg6[%add3A_147, %dma_start3A_151] : memref<40x128xi32, #tpu.memory_space<vmem>> -> memref<1x64xi32, #tpu.memory_space<vmem>>
          %dma_start3A_153 = tpu.memref_squeeze %dma_start3A_152 : memref<1x64xi32, #tpu.memory_space<vmem>> -> memref<64xi32, #tpu.memory_space<vmem>>
          %dma_start3A_154 = arith.constant 0 : i32
          %dma_start3A_155 = arith.constant 0 : i32
          %dma_start3A_156 = tpu.memref_slice %arg2[%dma_start3A_154, %dma_start3A_155] : memref<10240x128xf32, #tpu.memory_space<hbm>> -> memref<10240x128xf32, #tpu.memory_space<hbm>>
          tpu.enqueue_indirect_dma source(%dma_start3A_156 : memref<10240x128xf32, #tpu.memory_space<hbm>>) target(%dma_start3A_150 : memref<64x128xf32, #tpu.memory_space<vmem>>) offsets(%dma_start3A_153 : memref<64xi32, #tpu.memory_space<vmem>>) semaphore(%arg12 : memref<!tpu.dma_semaphore, #tpu.memory_space<semaphore_mem>>)
          %dma_start3A_157 = arith.constant 64 : i32
          %dma_start3A_158 = arith.constant 0 : i32
          %dma_start3A_159 = tpu.memref_slice %arg8[%dma_start3A_157, %dma_start3A_158] : memref<128x128xf32, #tpu.memory_space<vmem>> -> memref<64x128xf32, #tpu.memory_space<vmem>>
          %dma_start3A_160 = arith.constant 64 : i32
          %dma_start3A_161 = tpu.memref_slice %arg6[%add3A_147, %dma_start3A_160] : memref<40x128xi32, #tpu.memory_space<vmem>> -> memref<1x64xi32, #tpu.memory_space<vmem>>
          %dma_start3A_162 = tpu.memref_squeeze %dma_start3A_161 : memref<1x64xi32, #tpu.memory_space<vmem>> -> memref<64xi32, #tpu.memory_space<vmem>>
          %dma_start3A_163 = arith.constant 0 : i32
          %dma_start3A_164 = arith.constant 0 : i32
          %dma_start3A_165 = tpu.memref_slice %arg2[%dma_start3A_163, %dma_start3A_164] : memref<10240x128xf32, #tpu.memory_space<hbm>> -> memref<10240x128xf32, #tpu.memory_space<hbm>>
          tpu.enqueue_indirect_dma source(%dma_start3A_165 : memref<10240x128xf32, #tpu.memory_space<hbm>>) target(%dma_start3A_159 : memref<64x128xf32, #tpu.memory_space<vmem>>) offsets(%dma_start3A_162 : memref<64xi32, #tpu.memory_space<vmem>>) semaphore(%arg13 : memref<!tpu.dma_semaphore, #tpu.memory_space<semaphore_mem>>)
        } else {
        }
        %add3A_119 = arith.constant 1 : i32
        %add3A_120 = arith.addi %add3A_94, %add3A_119 : i32
        %dma_wait3A_121 = arith.constant 0 : i32
        %dma_wait3A_122 = arith.constant 0 : i32
        %dma_wait3A_123 = tpu.memref_slice %arg9[%dma_wait3A_121, %dma_wait3A_122] : memref<128x128xf32, #tpu.memory_space<vmem>> -> memref<64x128xf32, #tpu.memory_space<vmem>>
        %dma_wait3A_124 = arith.constant 0 : i32
        %dma_wait3A_125 = tpu.memref_slice %arg6[%add3A_120, %dma_wait3A_124] : memref<40x128xi32, #tpu.memory_space<vmem>> -> memref<1x64xi32, #tpu.memory_space<vmem>>
        %dma_wait3A_126 = tpu.memref_squeeze %dma_wait3A_125 : memref<1x64xi32, #tpu.memory_space<vmem>> -> memref<64xi32, #tpu.memory_space<vmem>>
        %dma_wait3A_127 = arith.constant 0 : i32
        %dma_wait3A_128 = arith.constant 0 : i32
        %dma_wait3A_129 = tpu.memref_slice %arg2[%dma_wait3A_127, %dma_wait3A_128] : memref<10240x128xf32, #tpu.memory_space<hbm>> -> memref<10240x128xf32, #tpu.memory_space<hbm>>
        tpu.wait_indirect_dma semaphore(%arg14 : memref<!tpu.dma_semaphore, #tpu.memory_space<semaphore_mem>>) src(%dma_wait3A_129 : memref<10240x128xf32, #tpu.memory_space<hbm>>) dst(%dma_wait3A_123 : memref<64x128xf32, #tpu.memory_space<vmem>>)
        %dma_wait3A_130 = arith.constant 64 : i32
        %dma_wait3A_131 = arith.constant 0 : i32
        %dma_wait3A_132 = tpu.memref_slice %arg9[%dma_wait3A_130, %dma_wait3A_131] : memref<128x128xf32, #tpu.memory_space<vmem>> -> memref<64x128xf32, #tpu.memory_space<vmem>>
        %dma_wait3A_133 = arith.constant 64 : i32
        %dma_wait3A_134 = tpu.memref_slice %arg6[%add3A_120, %dma_wait3A_133] : memref<40x128xi32, #tpu.memory_space<vmem>> -> memref<1x64xi32, #tpu.memory_space<vmem>>
        %dma_wait3A_135 = tpu.memref_squeeze %dma_wait3A_134 : memref<1x64xi32, #tpu.memory_space<vmem>> -> memref<64xi32, #tpu.memory_space<vmem>>
        %dma_wait3A_136 = arith.constant 0 : i32
        %dma_wait3A_137 = arith.constant 0 : i32
        %dma_wait3A_138 = tpu.memref_slice %arg2[%dma_wait3A_136, %dma_wait3A_137] : memref<10240x128xf32, #tpu.memory_space<hbm>> -> memref<10240x128xf32, #tpu.memory_space<hbm>>
        tpu.wait_indirect_dma semaphore(%arg15 : memref<!tpu.dma_semaphore, #tpu.memory_space<semaphore_mem>>) src(%dma_wait3A_138 : memref<10240x128xf32, #tpu.memory_space<hbm>>) dst(%dma_wait3A_132 : memref<64x128xf32, #tpu.memory_space<vmem>>)
        "tpu.region"() ({
          %run_scoped3A = tpu.sem_alloc : memref<!tpu.dma_semaphore, #tpu.memory_space<semaphore_mem>>
          %dma_start3A_146 = arith.constant 0 : i32
          %dma_start3A_147 = tpu.memref_slice %arg7[%add3A_120, %dma_start3A_146] : memref<40x128xi32, #tpu.memory_space<vmem>> -> memref<1x128xi32, #tpu.memory_space<vmem>>
          %dma_start3A_148 = tpu.memref_squeeze %dma_start3A_147 : memref<1x128xi32, #tpu.memory_space<vmem>> -> memref<128xi32, #tpu.memory_space<vmem>>
          %dma_start3A_149 = arith.constant 0 : i32
          %dma_start3A_150 = arith.constant 0 : i32
          %dma_start3A_151 = tpu.memref_slice %arg10[%dma_start3A_149, %dma_start3A_150] : memref<10240x128xf32, #tpu.memory_space<vmem_shared>> -> memref<10240x128xf32, #tpu.memory_space<vmem_shared>>
          tpu.enqueue_indirect_dma source(%arg9 : memref<128x128xf32, #tpu.memory_space<vmem>>) target(%dma_start3A_151 : memref<10240x128xf32, #tpu.memory_space<vmem_shared>>) offsets(%dma_start3A_148 : memref<128xi32, #tpu.memory_space<vmem>>) semaphore(%run_scoped3A : memref<!tpu.dma_semaphore, #tpu.memory_space<semaphore_mem>>) {add = true}
          %dma_wait3A_152 = arith.constant 0 : i32
          %dma_wait3A_153 = tpu.memref_slice %arg7[%add3A_120, %dma_wait3A_152] : memref<40x128xi32, #tpu.memory_space<vmem>> -> memref<1x128xi32, #tpu.memory_space<vmem>>
          %dma_wait3A_154 = tpu.memref_squeeze %dma_wait3A_153 : memref<1x128xi32, #tpu.memory_space<vmem>> -> memref<128xi32, #tpu.memory_space<vmem>>
          %dma_wait3A_155 = arith.constant 0 : i32
          %dma_wait3A_156 = arith.constant 0 : i32
          %dma_wait3A_157 = tpu.memref_slice %arg10[%dma_wait3A_155, %dma_wait3A_156] : memref<10240x128xf32, #tpu.memory_space<vmem_shared>> -> memref<10240x128xf32, #tpu.memory_space<vmem_shared>>
          tpu.wait_indirect_dma semaphore(%run_scoped3A : memref<!tpu.dma_semaphore, #tpu.memory_space<semaphore_mem>>) src(%arg9 : memref<128x128xf32, #tpu.memory_space<vmem>>) dst(%dma_wait3A_157 : memref<10240x128xf32, #tpu.memory_space<vmem_shared>>)
          tpu.yield
        }) : () -> ()
        %add3A_139 = arith.constant 2 : i32
        %add3A_140 = arith.addi %add3A_120, %add3A_139 : i32
        %lt3A_141 = arith.constant 40 : i32
        %lt3A_142 = arith.cmpi slt, %add3A_140, %lt3A_141 : i32
        %convert_element_type3A_143 = arith.extui %lt3A_142 : i1 to i32
        %cond3A_144 = arith.constant 0 : i32
        %cond3A_145 = arith.cmpi ne, %convert_element_type3A_143, %cond3A_144 : i32
        scf.if %cond3A_145 {
          %add3A_146 = arith.constant 2 : i32
          %add3A_147 = arith.addi %add3A_120, %add3A_146 : i32
          %dma_start3A_148 = arith.constant 0 : i32
          %dma_start3A_149 = arith.constant 0 : i32
          %dma_start3A_150 = tpu.memref_slice %arg9[%dma_start3A_148, %dma_start3A_149] : memref<128x128xf32, #tpu.memory_space<vmem>> -> memref<64x128xf32, #tpu.memory_space<vmem>>
          %dma_start3A_151 = arith.constant 0 : i32
          %dma_start3A_152 = tpu.memref_slice %arg6[%add3A_147, %dma_start3A_151] : memref<40x128xi32, #tpu.memory_space<vmem>> -> memref<1x64xi32, #tpu.memory_space<vmem>>
          %dma_start3A_153 = tpu.memref_squeeze %dma_start3A_152 : memref<1x64xi32, #tpu.memory_space<vmem>> -> memref<64xi32, #tpu.memory_space<vmem>>
          %dma_start3A_154 = arith.constant 0 : i32
          %dma_start3A_155 = arith.constant 0 : i32
          %dma_start3A_156 = tpu.memref_slice %arg2[%dma_start3A_154, %dma_start3A_155] : memref<10240x128xf32, #tpu.memory_space<hbm>> -> memref<10240x128xf32, #tpu.memory_space<hbm>>
          tpu.enqueue_indirect_dma source(%dma_start3A_156 : memref<10240x128xf32, #tpu.memory_space<hbm>>) target(%dma_start3A_150 : memref<64x128xf32, #tpu.memory_space<vmem>>) offsets(%dma_start3A_153 : memref<64xi32, #tpu.memory_space<vmem>>) semaphore(%arg14 : memref<!tpu.dma_semaphore, #tpu.memory_space<semaphore_mem>>)
          %dma_start3A_157 = arith.constant 64 : i32
          %dma_start3A_158 = arith.constant 0 : i32
          %dma_start3A_159 = tpu.memref_slice %arg9[%dma_start3A_157, %dma_start3A_158] : memref<128x128xf32, #tpu.memory_space<vmem>> -> memref<64x128xf32, #tpu.memory_space<vmem>>
          %dma_start3A_160 = arith.constant 64 : i32
          %dma_start3A_161 = tpu.memref_slice %arg6[%add3A_147, %dma_start3A_160] : memref<40x128xi32, #tpu.memory_space<vmem>> -> memref<1x64xi32, #tpu.memory_space<vmem>>
          %dma_start3A_162 = tpu.memref_squeeze %dma_start3A_161 : memref<1x64xi32, #tpu.memory_space<vmem>> -> memref<64xi32, #tpu.memory_space<vmem>>
          %dma_start3A_163 = arith.constant 0 : i32
          %dma_start3A_164 = arith.constant 0 : i32
          %dma_start3A_165 = tpu.memref_slice %arg2[%dma_start3A_163, %dma_start3A_164] : memref<10240x128xf32, #tpu.memory_space<hbm>> -> memref<10240x128xf32, #tpu.memory_space<hbm>>
          tpu.enqueue_indirect_dma source(%dma_start3A_165 : memref<10240x128xf32, #tpu.memory_space<hbm>>) target(%dma_start3A_159 : memref<64x128xf32, #tpu.memory_space<vmem>>) offsets(%dma_start3A_162 : memref<64xi32, #tpu.memory_space<vmem>>) semaphore(%arg15 : memref<!tpu.dma_semaphore, #tpu.memory_space<semaphore_mem>>)
        } else {
        }
      }
      %scan3A_89 = arith.constant 20 : i32
    }
    %scan3A_14 = arith.constant 2 : i32
    %barrier3A_15 = arith.constant 0 : index
    tpu.barrier barrier_id(%barrier3A_15)
    %scan3A_16 = arith.constant 0 : i32
    %scan3A_17 = arith.constant 5 : i32
    %scan3A_18 = arith.addi %scan3A_16, %scan3A_17 : i32
    %scan3A_19 = arith.constant 1 : i32
    scf.for %scan3A_21 = %scan3A_16 to %scan3A_18 step %scan3A_19  : i32 {
      %mul3A_22 = arith.constant 1 : i32
      %mul3A_23 = arith.muli %scan3A_21, %mul3A_22 : i32
      %add3A_24 = arith.constant 0 : i32
      %add3A_25 = arith.addi %add3A_24, %mul3A_23 : i32
      %mul3A_26 = arith.constant 640 : i32
      %mul3A_27 = arith.muli %arg1, %mul3A_26 : i32
      %mul3A_28 = arith.constant 128 : i32
      %mul3A_29 = arith.muli %add3A_25, %mul3A_28 : i32
      %add3A_30 = arith.addi %mul3A_27, %mul3A_29 : i32
      %mul3A_31 = arith.constant 10240 : i32
      %mul3A_32 = arith.muli %arg0, %mul3A_31 : i32
      %mul3A_33 = arith.constant 640 : i32
      %mul3A_34 = arith.muli %arg1, %mul3A_33 : i32
      %add3A_35 = arith.addi %mul3A_32, %mul3A_34 : i32
      %mul3A_36 = arith.constant 128 : i32
      %mul3A_37 = arith.muli %add3A_25, %mul3A_36 : i32
      %add3A_38 = arith.addi %add3A_35, %mul3A_37 : i32
      "tpu.region"() ({
        %run_scoped3A = tpu.sem_alloc : memref<!tpu.dma_semaphore, #tpu.memory_space<semaphore_mem>>
        %dma_start3A = arith.constant 0 : i32
        %dma_start3A_39 = tpu.memref_slice %arg5[%add3A_38, %dma_start3A] : memref<20480x128xf32, #tpu.memory_space<hbm>> -> memref<128x128xf32, #tpu.memory_space<hbm>>
        %dma_start3A_40 = arith.constant 0 : i32
        %dma_start3A_41 = tpu.memref_slice %arg10[%add3A_30, %dma_start3A_40] : memref<10240x128xf32, #tpu.memory_space<vmem_shared>> -> memref<128x128xf32, #tpu.memory_space<vmem_shared>>
        tpu.enqueue_dma source(%dma_start3A_41 : memref<128x128xf32, #tpu.memory_space<vmem_shared>>) target(%dma_start3A_39 : memref<128x128xf32, #tpu.memory_space<hbm>>) target_semaphore(%run_scoped3A : memref<!tpu.dma_semaphore, #tpu.memory_space<semaphore_mem>>)
        %dma_wait3A = arith.constant 0 : i32
        %dma_wait3A_42 = tpu.memref_slice %arg5[%add3A_38, %dma_wait3A] : memref<20480x128xf32, #tpu.memory_space<hbm>> -> memref<128x128xf32, #tpu.memory_space<hbm>>
        %dma_wait3A_43 = arith.constant 0 : i32
        %dma_wait3A_44 = tpu.memref_slice %arg10[%add3A_30, %dma_wait3A_43] : memref<10240x128xf32, #tpu.memory_space<vmem_shared>> -> memref<128x128xf32, #tpu.memory_space<vmem_shared>>
        tpu.wait_dma2 semaphore(%run_scoped3A : memref<!tpu.dma_semaphore, #tpu.memory_space<semaphore_mem>>) src(%dma_wait3A_44 : memref<128x128xf32, #tpu.memory_space<vmem_shared>>) dst(%dma_wait3A_42 : memref<128x128xf32, #tpu.memory_space<hbm>>)
        tpu.yield
      }) : () -> ()
    }
    %scan3A_20 = arith.constant 5 : i32
    return
  }
}

module attributes {stable_mosaic.version = 14 : i64} {
  func.func @_prep_body(%arg0: i32, %arg1: memref<128x128xf32, #tpu.memory_space<vmem>>, %arg2: memref<128x128xf32, #tpu.memory_space<vmem>>, %arg3: memref<128x16xf32, #tpu.memory_space<vmem>>, %arg4: memref<128x16xf32, #tpu.memory_space<vmem>>, %arg5: memref<128x1xf32, #tpu.memory_space<vmem>>, %arg6: memref<128x128xf32, #tpu.memory_space<vmem>>) attributes {dimension_semantics = [#tpu.dimension_semantics<arbitrary>], iteration_bounds = array<i64: 80>, scalar_prefetch = 0 : i64, scratch_operands = 0 : i64, tpu.core_type = #tpu.core_type<tc>, window_params = [{transform_indices = @transform_0, window_bounds = array<i64: 128, 128>}, {pipeline_mode = #tpu.pipeline_mode<synchronous>, transform_indices = @transform_1, window_bounds = array<i64: 128, 128>}, {transform_indices = @transform_2, window_bounds = array<i64: 128, 16>}, {transform_indices = @transform_3, window_bounds = array<i64: 128, 16>}, {transform_indices = @transform_4, window_bounds = array<i64: 128, 1>}, {transform_indices = @transform_5, window_bounds = array<i64: 128, 128>}]} {
    %get3A = arith.constant 0 : index
    %get3A_0 = arith.constant 0 : index
    %get3A_1 = vector.load %arg3[%get3A, %get3A_0] : memref<128x16xf32, #tpu.memory_space<vmem>>, vector<128x1xf32>
    %get3A_2 = arith.constant 0 : index
    %get3A_3 = arith.constant 0 : index
    %get3A_4 = vector.load %arg4[%get3A_2, %get3A_3] : memref<128x16xf32, #tpu.memory_space<vmem>>, vector<128x1xf32>
    %add3A = arith.addf %get3A_1, %get3A_4 : vector<128x1xf32>
    %add3A_5 = arith.constant 1.000000e+00 : f32
    %add3A_6 = vector.broadcast %add3A_5 : f32 to vector<128x1xf32>
    %add3A_7 = arith.addf %add3A, %add3A_6 : vector<128x1xf32>
    %rsqrt3A = math.rsqrt %add3A_7 : vector<128x1xf32>
    %swap3A = arith.constant 0 : index
    %swap3A_8 = arith.constant 0 : index
    %swap3A_9 = vector.load %arg5[%swap3A, %swap3A_8] : memref<128x1xf32, #tpu.memory_space<vmem>>, vector<128x1xf32>
    tpu.vector_store %arg5[%swap3A, %swap3A_8], %rsqrt3A {strides = array<i32>} : memref<128x1xf32, #tpu.memory_space<vmem>>, vector<128x1xf32>,
    %get3A_10 = arith.constant 0 : index
    %get3A_11 = arith.constant 0 : index
    %get3A_12 = vector.load %arg1[%get3A_10, %get3A_11] : memref<128x128xf32, #tpu.memory_space<vmem>>, vector<128x128xf32>
    %get3A_13 = arith.constant 0 : index
    %get3A_14 = arith.constant 0 : index
    %get3A_15 = vector.load %arg2[%get3A_13, %get3A_14] : memref<128x128xf32, #tpu.memory_space<vmem>>, vector<128x128xf32>
    %dot_general3A = arith.constant dense<0.000000e+00> : vector<128x128xf32>
    %dot_general3A_16 = tpu.matmul %get3A_12, %get3A_15, %dot_general3A {dimension_numbers = #tpu.dot_dimension_numbers<[1], [0], [0], [1], [0, 0, 1, 1], [], []>, transpose_lhs_hint = false} : vector<128x128xf32>, vector<128x128xf32>, vector<128x128xf32> -> vector<128x128xf32>
    %mul3A = vector.broadcast %rsqrt3A : vector<128x1xf32> to vector<128x128xf32>
    %mul3A_17 = arith.mulf %mul3A, %dot_general3A_16 : vector<128x128xf32>
    %swap3A_18 = arith.constant 0 : index
    %swap3A_19 = arith.constant 0 : index
    %swap3A_20 = vector.load %arg6[%swap3A_18, %swap3A_19] : memref<128x128xf32, #tpu.memory_space<vmem>>, vector<128x128xf32>
    tpu.vector_store %arg6[%swap3A_18, %swap3A_19], %mul3A_17 {strides = array<i32>} : memref<128x128xf32, #tpu.memory_space<vmem>>, vector<128x128xf32>,
    return
  }
  func.func @transform_0(%arg0: i32) -> (i32, i32) {
    %c0_i32 = arith.constant 0 : i32
    %c0_i32_0 = arith.constant 0 : i32
    return %arg0, %c0_i32 : i32, i32
  }
  func.func @transform_1(%arg0: i32) -> (i32, i32) {
    %c0_i32 = arith.constant 0 : i32
    %c0_i32_0 = arith.constant 0 : i32
    %c0_i32_1 = arith.constant 0 : i32
    return %c0_i32, %c0_i32_0 : i32, i32
  }
  func.func @transform_2(%arg0: i32) -> (i32, i32) {
    %c0_i32 = arith.constant 0 : i32
    %c0_i32_0 = arith.constant 0 : i32
    return %arg0, %c0_i32 : i32, i32
  }
  func.func @transform_3(%arg0: i32) -> (i32, i32) {
    %add3A = arith.constant 80 : i32
    %add3A_0 = arith.addi %add3A, %arg0 : i32
    %c0_i32 = arith.constant 0 : i32
    %c0_i32_1 = arith.constant 0 : i32
    return %add3A_0, %c0_i32 : i32, i32
  }
  func.func @transform_4(%arg0: i32) -> (i32, i32) {
    %c0_i32 = arith.constant 0 : i32
    %c0_i32_0 = arith.constant 0 : i32
    return %arg0, %c0_i32 : i32, i32
  }
  func.func @transform_5(%arg0: i32) -> (i32, i32) {
    %c0_i32 = arith.constant 0 : i32
    %c0_i32_0 = arith.constant 0 : i32
    return %arg0, %c0_i32 : i32, i32
  }
}

module attributes {stable_mosaic.version = 14 : i64} {
  func.func @_out_body(%arg0: i32, %arg1: memref<128x128xf32, #tpu.memory_space<vmem>>, %arg2: memref<128x128xf32, #tpu.memory_space<vmem>>, %arg3: memref<128x128xf32, #tpu.memory_space<vmem>>, %arg4: memref<128x1xf32, #tpu.memory_space<vmem>>, %arg5: memref<1x128xf32, #tpu.memory_space<vmem>>, %arg6: memref<128x128xf32, #tpu.memory_space<vmem>>) attributes {dimension_semantics = [#tpu.dimension_semantics<arbitrary>], iteration_bounds = array<i64: 80>, scalar_prefetch = 0 : i64, scratch_operands = 0 : i64, tpu.core_type = #tpu.core_type<tc>, window_params = [{transform_indices = @transform_0, window_bounds = array<i64: 128, 128>}, {transform_indices = @transform_1, window_bounds = array<i64: 128, 128>}, {transform_indices = @transform_2, window_bounds = array<i64: 128, 128>}, {transform_indices = @transform_3, window_bounds = array<i64: 128, 1>}, {pipeline_mode = #tpu.pipeline_mode<synchronous>, transform_indices = @transform_4, window_bounds = array<i64: 1, 128>}, {transform_indices = @transform_5, window_bounds = array<i64: 128, 128>}]} {
    %get3A = arith.constant 0 : index
    %get3A_0 = arith.constant 0 : index
    %get3A_1 = vector.load %arg4[%get3A, %get3A_0] : memref<128x1xf32, #tpu.memory_space<vmem>>, vector<128x1xf32>
    %get3A_2 = arith.constant 0 : index
    %get3A_3 = arith.constant 0 : index
    %get3A_4 = vector.load %arg1[%get3A_2, %get3A_3] : memref<128x128xf32, #tpu.memory_space<vmem>>, vector<128x128xf32>
    %get3A_5 = arith.constant 0 : index
    %get3A_6 = arith.constant 0 : index
    %get3A_7 = vector.load %arg2[%get3A_5, %get3A_6] : memref<128x128xf32, #tpu.memory_space<vmem>>, vector<128x128xf32>
    %add3A = arith.addf %get3A_4, %get3A_7 : vector<128x128xf32>
    %get3A_8 = arith.constant 0 : index
    %get3A_9 = arith.constant 0 : index
    %get3A_10 = vector.load %arg3[%get3A_8, %get3A_9] : memref<128x128xf32, #tpu.memory_space<vmem>>, vector<128x128xf32>
    %add3A_11 = arith.addf %add3A, %get3A_10 : vector<128x128xf32>
    %mul3A = vector.broadcast %get3A_1 : vector<128x1xf32> to vector<128x128xf32>
    %mul3A_12 = arith.mulf %mul3A, %add3A_11 : vector<128x128xf32>
    %get3A_13 = arith.constant 0 : index
    %get3A_14 = arith.constant 0 : index
    %get3A_15 = vector.load %arg5[%get3A_13, %get3A_14] : memref<1x128xf32, #tpu.memory_space<vmem>>, vector<1x128xf32>
    %add3A_16 = vector.broadcast %get3A_15 : vector<1x128xf32> to vector<128x128xf32>
    %add3A_17 = arith.addf %mul3A_12, %add3A_16 : vector<128x128xf32>
    %max3A = arith.constant 0.000000e+00 : f32
    %max3A_18 = vector.broadcast %max3A : f32 to vector<128x128xf32>
    %max3A_19 = arith.maximumf %add3A_17, %max3A_18 : vector<128x128xf32>
    %swap3A = arith.constant 0 : index
    %swap3A_20 = arith.constant 0 : index
    %swap3A_21 = vector.load %arg6[%swap3A, %swap3A_20] : memref<128x128xf32, #tpu.memory_space<vmem>>, vector<128x128xf32>
    tpu.vector_store %arg6[%swap3A, %swap3A_20], %max3A_19 {strides = array<i32>} : memref<128x128xf32, #tpu.memory_space<vmem>>, vector<128x128xf32>,
    return
  }
  func.func @transform_0(%arg0: i32) -> (i32, i32) {
    %c0_i32 = arith.constant 0 : i32
    %c0_i32_0 = arith.constant 0 : i32
    return %arg0, %c0_i32 : i32, i32
  }
  func.func @transform_1(%arg0: i32) -> (i32, i32) {
    %add3A = arith.constant 80 : i32
    %add3A_0 = arith.addi %add3A, %arg0 : i32
    %c0_i32 = arith.constant 0 : i32
    %c0_i32_1 = arith.constant 0 : i32
    return %add3A_0, %c0_i32 : i32, i32
  }
  func.func @transform_2(%arg0: i32) -> (i32, i32) {
    %c0_i32 = arith.constant 0 : i32
    %c0_i32_0 = arith.constant 0 : i32
    return %arg0, %c0_i32 : i32, i32
  }
  func.func @transform_3(%arg0: i32) -> (i32, i32) {
    %c0_i32 = arith.constant 0 : i32
    %c0_i32_0 = arith.constant 0 : i32
    return %arg0, %c0_i32 : i32, i32
  }
  func.func @transform_4(%arg0: i32) -> (i32, i32) {
    %c0_i32 = arith.constant 0 : i32
    %c0_i32_0 = arith.constant 0 : i32
    %c0_i32_1 = arith.constant 0 : i32
    return %c0_i32, %c0_i32_0 : i32, i32
  }
  func.func @transform_5(%arg0: i32) -> (i32, i32) {
    %c0_i32 = arith.constant 0 : i32
    %c0_i32_0 = arith.constant 0 : i32
    return %arg0, %c0_i32 : i32, i32
  }
}

module attributes {stable_mosaic.version = 14 : i64} {
  func.func @_mid_body(%arg0: i32, %arg1: memref<128x128xf32, #tpu.memory_space<vmem>>, %arg2: memref<128x128xf32, #tpu.memory_space<vmem>>, %arg3: memref<128x128xf32, #tpu.memory_space<vmem>>, %arg4: memref<128x1xf32, #tpu.memory_space<vmem>>, %arg5: memref<1x128xf32, #tpu.memory_space<vmem>>, %arg6: memref<128x128xf32, #tpu.memory_space<vmem>>, %arg7: memref<128x128xf32, #tpu.memory_space<vmem>>) attributes {dimension_semantics = [#tpu.dimension_semantics<arbitrary>], iteration_bounds = array<i64: 80>, scalar_prefetch = 0 : i64, scratch_operands = 0 : i64, tpu.core_type = #tpu.core_type<tc>, window_params = [{transform_indices = @transform_0, window_bounds = array<i64: 128, 128>}, {transform_indices = @transform_1, window_bounds = array<i64: 128, 128>}, {transform_indices = @transform_2, window_bounds = array<i64: 128, 128>}, {transform_indices = @transform_3, window_bounds = array<i64: 128, 1>}, {pipeline_mode = #tpu.pipeline_mode<synchronous>, transform_indices = @transform_4, window_bounds = array<i64: 1, 128>}, {pipeline_mode = #tpu.pipeline_mode<synchronous>, transform_indices = @transform_5, window_bounds = array<i64: 128, 128>}, {transform_indices = @transform_6, window_bounds = array<i64: 128, 128>}]} {
    %get3A = arith.constant 0 : index
    %get3A_0 = arith.constant 0 : index
    %get3A_1 = vector.load %arg4[%get3A, %get3A_0] : memref<128x1xf32, #tpu.memory_space<vmem>>, vector<128x1xf32>
    %get3A_2 = arith.constant 0 : index
    %get3A_3 = arith.constant 0 : index
    %get3A_4 = vector.load %arg1[%get3A_2, %get3A_3] : memref<128x128xf32, #tpu.memory_space<vmem>>, vector<128x128xf32>
    %get3A_5 = arith.constant 0 : index
    %get3A_6 = arith.constant 0 : index
    %get3A_7 = vector.load %arg2[%get3A_5, %get3A_6] : memref<128x128xf32, #tpu.memory_space<vmem>>, vector<128x128xf32>
    %add3A = arith.addf %get3A_4, %get3A_7 : vector<128x128xf32>
    %get3A_8 = arith.constant 0 : index
    %get3A_9 = arith.constant 0 : index
    %get3A_10 = vector.load %arg3[%get3A_8, %get3A_9] : memref<128x128xf32, #tpu.memory_space<vmem>>, vector<128x128xf32>
    %add3A_11 = arith.addf %add3A, %get3A_10 : vector<128x128xf32>
    %mul3A = vector.broadcast %get3A_1 : vector<128x1xf32> to vector<128x128xf32>
    %mul3A_12 = arith.mulf %mul3A, %add3A_11 : vector<128x128xf32>
    %get3A_13 = arith.constant 0 : index
    %get3A_14 = arith.constant 0 : index
    %get3A_15 = vector.load %arg5[%get3A_13, %get3A_14] : memref<1x128xf32, #tpu.memory_space<vmem>>, vector<1x128xf32>
    %add3A_16 = vector.broadcast %get3A_15 : vector<1x128xf32> to vector<128x128xf32>
    %add3A_17 = arith.addf %mul3A_12, %add3A_16 : vector<128x128xf32>
    %max3A = arith.constant 0.000000e+00 : f32
    %max3A_18 = vector.broadcast %max3A : f32 to vector<128x128xf32>
    %max3A_19 = arith.maximumf %add3A_17, %max3A_18 : vector<128x128xf32>
    %get3A_20 = arith.constant 0 : index
    %get3A_21 = arith.constant 0 : index
    %get3A_22 = vector.load %arg6[%get3A_20, %get3A_21] : memref<128x128xf32, #tpu.memory_space<vmem>>, vector<128x128xf32>
    %dot_general3A = arith.constant dense<0.000000e+00> : vector<128x128xf32>
    %dot_general3A_23 = tpu.matmul %max3A_19, %get3A_22, %dot_general3A {dimension_numbers = #tpu.dot_dimension_numbers<[1], [0], [0], [1], [0, 0, 1, 1], [], []>, transpose_lhs_hint = false} : vector<128x128xf32>, vector<128x128xf32>, vector<128x128xf32> -> vector<128x128xf32>
    %mul3A_24 = vector.broadcast %get3A_1 : vector<128x1xf32> to vector<128x128xf32>
    %mul3A_25 = arith.mulf %mul3A_24, %dot_general3A_23 : vector<128x128xf32>
    %swap3A = arith.constant 0 : index
    %swap3A_26 = arith.constant 0 : index
    %swap3A_27 = vector.load %arg7[%swap3A, %swap3A_26] : memref<128x128xf32, #tpu.memory_space<vmem>>, vector<128x128xf32>
    tpu.vector_store %arg7[%swap3A, %swap3A_26], %mul3A_25 {strides = array<i32>} : memref<128x128xf32, #tpu.memory_space<vmem>>, vector<128x128xf32>,
    return
  }
  func.func @transform_0(%arg0: i32) -> (i32, i32) {
    %c0_i32 = arith.constant 0 : i32
    %c0_i32_0 = arith.constant 0 : i32
    return %arg0, %c0_i32 : i32, i32
  }
  func.func @transform_1(%arg0: i32) -> (i32, i32) {
    %add3A = arith.constant 80 : i32
    %add3A_0 = arith.addi %add3A, %arg0 : i32
    %c0_i32 = arith.constant 0 : i32
    %c0_i32_1 = arith.constant 0 : i32
    return %add3A_0, %c0_i32 : i32, i32
  }
  func.func @transform_2(%arg0: i32) -> (i32, i32) {
    %c0_i32 = arith.constant 0 : i32
    %c0_i32_0 = arith.constant 0 : i32
    return %arg0, %c0_i32 : i32, i32
  }
  func.func @transform_3(%arg0: i32) -> (i32, i32) {
    %c0_i32 = arith.constant 0 : i32
    %c0_i32_0 = arith.constant 0 : i32
    return %arg0, %c0_i32 : i32, i32
  }
  func.func @transform_4(%arg0: i32) -> (i32, i32) {
    %c0_i32 = arith.constant 0 : i32
    %c0_i32_0 = arith.constant 0 : i32
    %c0_i32_1 = arith.constant 0 : i32
    return %c0_i32, %c0_i32_0 : i32, i32
  }
  func.func @transform_5(%arg0: i32) -> (i32, i32) {
    %c0_i32 = arith.constant 0 : i32
    %c0_i32_0 = arith.constant 0 : i32
    %c0_i32_1 = arith.constant 0 : i32
    return %c0_i32, %c0_i32_0 : i32, i32
  }
  func.func @transform_6(%arg0: i32) -> (i32, i32) {
    %c0_i32 = arith.constant 0 : i32
    %c0_i32_0 = arith.constant 0 : i32
    return %arg0, %c0_i32 : i32, i32
  }
}

</mosaic_0001>

<sc_bundles>
// kernel: kernel.11.cloned.1.call-start
scs
__scs_entry_jumppad:
0x0: {  	(pc) =	sbr.rel $0x88, $3  }
0x1: {  	(tag) =	ssettag $0x0;
	lr =	simm.s32 $0x1  }
0x2: {  	[smem:$0x3F9B] =	sst lr;
	_ =	strace $0xD0000000  }
0x3: {  	_ = 	snop  }
0x4: {  	_ = 	snop  }
0x5: {  	_ = 	snop  }
0x6: {  	_ = 	snop  }
0x7: {  	_ = 	snop  }
__scs_overlays_trampoline_lowered:
0x8: {  	[smem:$0x3FAA] =	sst s0  }
0x9: {  	[smem:$0x3FAB] =	sst s1  }
0xa: {  	[smem:$0x3FAC] =	sst s2  }
0xb: {  	[smem:$0x3FAD] =	sst s3  }
0xc: {  	[smem:$0x3FAE] =	sst s4  }
0xd: {  	[smem:$0x3FAF] =	sst s5  }
0xe: {  	[smem:$0x3FB0] =	sst s6  }
0xf: {  	[smem:$0x3FB1] =	sst s7  }
0x10: {  	[smem:$0x3FB2] =	sst s8  }
0x11: {  	[smem:$0x3FB3] =	sst s9;
	s0 =	simm.s32 @!p0 $0x0  }
0x12: {  	s1 =	sld [smem:$0x3F99];
	s0 =	simm.s32 @p0 $0x1  }
0x13: {  	[smem:$0x3FB4] =	sst s0;
	s0 =	simm.s32 @!p1 $0x0  }
0x14: {  	s2 =	sld [smem:$0x3F98];
	s0 =	simm.s32 @p1 $0x1  }
0x15: {  	[smem:$0x3FB5] =	sst s0;
	s0 =	simm.s32 @!p2 $0x0  }
0x16: {  	s3 =	sld [smem:$0x3FDB];
	s0 =	simm.s32 @p2 $0x1  }
0x17: {  	s4 =	simm.s32 $0x1BF5;
	[smem:$0x3FB7] =	sst s0  }
0x18: {  	s0 =	sld [smem:$0x3F9A];
	_ =	swait.ge [sflag:s4], $0x0  }
0x19: {  	s7 =	sld [smem:$0x3F9B]  }
0x1a: {  	s8 =	sadd.s32 $0xFFFFE003, lr  }
0x1b: {  	s9 =	sadd.s32 $0xFFFFFEF7, lr;
	s5 =	simm.s32 $0xFFFFFFFF;
	p2 =	slt.u32 s8, $0xFFFFF086  }
0x1c: {  	p1 =	slt.u32 s9, $0xF7A;
	s5 =	simm.s32 @!p2 $0x0  }
0x1d: {  	s5 =	simm.s32 @p1 $0x1;
	p0 =	seq.s32 s7, s2  }
0x1e: {  	s7 =	smul.u32 @!p0 $0xF7A, s2;
	p2 =	seq.s32 @!p0 s5, $0x0  }
0x1f: {  	s9 =	smul.u32 $0xF7A, s1;
	s8 =	simm.s32 @!p0 $0x1BF5;
	p2 =	por !p2, p0  }
0x20: {  	[sflag:s8] =	ssyncset.s32 @!p0 $0xFFFFF086;
	s6 =	sadd.s32 @!p0 s3, s7;
	s7 =	simm.s32 @!p0 $0x108  }
0x21: {  	s3 =	sadd.s32 s3, s9;
	s6 =	sadd.s32 @!p0 $0x88, s6;
	s7 =	simm.s32 @p2 $0x1082  }
0x22: {  	[simem:s7], [sflag:s8] =	dma.local @!p0 [hbm:s6], $0xF7A  }
0x23: {  	s9 =	sor.u32 $0xD0000000, s2;
	s6 =	simm.s32 $0x108;
	_ =	swait.ge @!p0 [sflag:s8], $0x0  }
0x24: {  	s3 =	sadd.s32 $0x88, s3;
	s6 =	simm.s32 @!p1 $0x1082;
	[sflag:s4] =	ssyncset.s32 $0xFFFFF086  }
0x25: {  	[simem:s6], [sflag:s4] =	dma.local [hbm:s3], $0xF7A  }
0x26: {  	[smem:$0x3F9B] =	sst s1;
	(tag) =	ssettag s2;
	_ =	strace s9  }
0x27: {  	s1 =	sld [smem:$0x3FAB]  }
0x28: {  	s2 =	sld [smem:$0x3FAC]  }
0x29: {  	s4 =	sld [smem:$0x3FAE]  }
0x2a: {  	p0 =	seq.s32 s5, $0x0;
	s5 =	sld [smem:$0x3FAF]  }
0x2b: {  	s6 =	sld [smem:$0x3FB0]  }
0x2c: {  	s7 =	sld [smem:$0x3FB1]  }
0x2d: {  	s3 =	simm.s32 $0x108;
	s8 =	sld [smem:$0x3FB2]  }
0x2e: {  	s3 =	simm.s32 @!p0 $0x1082;
	s9 =	sld [smem:$0x3FB3]  }
0x2f: {  	lr =	sadd.s32 s0, s3;
	s0 =	sld [smem:$0x3FAA]  }
0x30: {  	s3 =	sld [smem:$0x3FAD]  }
0x31: {  	[smem:$0x3FB6] =	sst s10  }
0x32: {  	s10 =	sld [smem:$0x3FB4];
	_ =	sdelay $0x3  }
0x33: {  	p0 =	seq.s32 s10, $0x1;
	s10 =	sld [smem:$0x3FB6];
	_ =	sdelay $0x3  }
0x34: {  	[smem:$0x3FB6] =	sst s10  }
0x35: {  	s10 =	sld [smem:$0x3FB5];
	_ =	sdelay $0x3  }
0x36: {  	p1 =	seq.s32 s10, $0x1;
	s10 =	sld [smem:$0x3FB6];
	_ =	sdelay $0x3  }
0x37: {  	[smem:$0x3FB6] =	sst s10  }
0x38: {  	s10 =	sld [smem:$0x3FB7]  }
0x39: {  	_ = 	snop;
	(pc) =	sbr.ind lr, $3  }
0x3a: {  	_ = 	snop  }
0x3b: {  	_ = 	snop  }
0x3c: {  	p2 =	seq.s32 s10, $0x1;
	s10 =	sld [smem:$0x3FB6]  }
0x3d: {  	_ =	shalt  }
0x3e: {  	_ =	shalt  }
0x3f: {  	_ =	shalt  }
0x40: {  	_ =	shalt  }
0x41: {  	_ =	shalt  }
0x42: {  	_ =	shalt  }
0x43: {  	_ =	shalt  }
0x44: {  	_ =	shalt  }
0x45: {  	_ =	shalt  }
0x46: {  	_ =	shalt  }
0x47: {  	_ =	shalt  }
0x48: {  	_ =	shalt  }
0x49: {  	_ =	shalt  }
0x4a: {  	_ =	shalt  }
0x4b: {  	_ =	shalt  }
0x4c: {  	_ =	shalt  }
0x4d: {  	_ =	shalt  }
0x4e: {  	_ =	shalt  }
0x4f: {  	_ =	shalt  }
0x50: {  	_ =	shalt  }
0x51: {  	_ =	shalt  }
0x52: {  	_ =	shalt  }
0x53: {  	_ =	shalt  }
0x54: {  	_ =	shalt  }
0x55: {  	_ =	shalt  }
0x56: {  	_ =	shalt  }
0x57: {  	_ =	shalt  }
0x58: {  	_ =	shalt  }
0x59: {  	_ =	shalt  }
0x5a: {  	_ =	shalt  }
0x5b: {  	_ =	shalt  }
0x5c: {  	_ =	shalt  }
0x5d: {  	_ =	shalt  }
0x5e: {  	_ =	shalt  }
0x5f: {  	_ =	shalt  }
0x60: {  	_ =	shalt  }
0x61: {  	_ =	shalt  }
0x62: {  	_ =	shalt  }
0x63: {  	_ =	shalt  }
0x64: {  	_ =	shalt  }
0x65: {  	_ =	shalt  }
0x66: {  	_ =	shalt  }
0x67: {  	_ =	shalt  }
0x68: {  	_ =	shalt  }
0x69: {  	_ =	shalt  }
0x6a: {  	_ =	shalt  }
0x6b: {  	_ =	shalt  }
0x6c: {  	_ =	shalt  }
0x6d: {  	_ =	shalt  }
0x6e: {  	_ =	shalt  }
0x6f: {  	_ =	shalt  }
0x70: {  	_ =	shalt  }
0x71: {  	_ =	shalt  }
0x72: {  	_ =	shalt  }
0x73: {  	_ =	shalt  }
0x74: {  	_ =	shalt  }
0x75: {  	_ =	shalt  }
0x76: {  	_ =	shalt  }
0x77: {  	_ =	shalt  }
0x78: {  	_ =	shalt  }
0x79: {  	_ =	shalt  }
0x7a: {  	_ =	shalt  }
0x7b: {  	_ =	shalt  }
0x7c: {  	_ =	shalt  }
0x7d: {  	_ =	shalt  }
0x7e: {  	_ =	shalt  }
0x7f: {  	_ =	shalt  }
0x80: {  	_ =	shalt  }
0x81: {  	_ =	shalt  }
0x82: {  	_ =	shalt  }
0x83: {  	_ =	shalt  }
0x84: {  	_ =	shalt  }
0x85: {  	_ =	shalt  }
0x86: {  	_ =	shalt  }
0x87: {  	_ =	shalt  }
.Lfunc_end0:
.L_simem_size_0:
called_computation.1_lowered:
.L_overlay_start_0:
0x88: {  	s2 =	sld [smem:$0x3FD9]  }
0x89: {  	s3 =	sld [smem:$0x3FFE];
	_ =	sdelay $0x1  }
0x8a: {  	s1 =	srdreg.scid  }
0x8b: {  	s0 =	sand.u32 $0x1, s1  }
0x8c: {  	s17 =	sshll.u32 s0, $0xA;
	s2 =	sadd.s32 s3, s2  }
0x8d: {  	s2 =	sadd.s32 s2, s17  }
0x8e: {  	[smem:$0x3FC2] =	sst s2  }
0x8f: {  	_ = 	snop  }
0x90: {  	s2 =	sld [smem:$0x3FD0];
	(tm) =	ssettm $0x1  }
0x91: {  	s18 =	sld [smem:$0x3FFB];
	_ =	sdelay $0x3  }
0x92: {  	_ =	strace s18  }
0x93: {  	s3 =	sld [smem:$0x3FFC];
	_ =	sdelay $0x3  }
0x94: {  	_ =	strace s3  }
0x95: {  	s3 =	sld [smem:$0x3FFD];
	_ =	sdelay $0x3  }
0x96: {  	_ =	strace s3  }
0x97: {  	_ =	strace $0x8FFFFFFF  }
0x98: {  	s19 =	sld [smem:$0x3FDB];
	_ =	sdelay $0x1  }
0x99: {  	s4 =	simm.s32 $_scs_section_size  }
0x9a: {  	s5 =	simm.s32 $_size__tile_overlayer_lowered;
	s6 =	simm.s32 $_tile_overlayer_lowered  }
0x9b: {  	s22 =	simm.s32 $0x1BFF;
	s21 =	sshll.u32 s6, $0x1;
	s3 =	sadd.s32 s4, s19  }
0x9c: {  	s7 =	simm.s32 $0x0;
	s20 =	sshll.u32 s5, $0x1;
	s5 =	sadd.s32 s21, s3  }
0x9d: {  	[timem:s7], [sflag:s22] =	dma.local [hbm:s5], s20  }
0x9e: {  	_ =	swait.ge [sflag:s22], s20  }
0x9f: {  	s4 =	ssub.s32 $0x0, s20;
	[sflag:s22] =	ssyncset.done $0x0  }
0xa0: {  	[sflag:s22] =	ssyncadd.s32 s4;
	_ =	sdelay $0x1  }
0xa1: {  	s23 =	simm.s32 $0x1B8B  }
0xa2: {  	_ =	swait.ge [sflag:s23], $0x1  }
0xa3: {  	[sflag:s23] =	ssyncset.done $0x0  }
0xa4: {  	s25 =	simm.s32 $0x1B8E;
	s24 =	sld [smem:$0x3FFE];
	[sflag:s23] =	ssyncadd.s32 $0xFFFFFFFF  }
0xa5: {  	s26 =	simm.s32 $execute0_lowered;
	[smem:$0x3FD2] =	sst s25  }
0xa6: {  	s5 =	sshll.u32 s26, $0x1;
	_ =	strace $0x80000049;
	[dreg:$0x1] =	wrdreg $0xFFFFFFFF  }
0xa7: {  	s28 =	simm.s32 $_size_execute0_lowered;
	s3 =	sadd.s32 s3, s5;
	[dreg:$0x0] =	wrdreg $0x0  }
0xa8: {  	s5 =	sshll.u32 s28, $0x1;
	[dreg:$0x2] =	wrdreg s3  }
0xa9: {  	[dreg:$0x3] =	wrdreg s5  }
0xaa: {  	[dreg:$0x4] =	wrdreg $0xC0  }
0xab: {  	_ =	task [dreg:s7], $0x5FFFF  }
0xac: {  	[dreg:$0x1] =	wrdreg $0xFFFFFFFF  }
0xad: {  	[dreg:$0x0] =	wrdreg $0x60  }
0xae: {  	[dreg:$0x2] =	wrdreg s24  }
0xaf: {  	[dreg:$0x3] =	wrdreg s2  }
0xb0: {  	[dreg:$0x4] =	wrdreg $0xA8000  }
0xb1: {  	[dreg:$0x5] =	wrdreg $0x9  }
0xb2: {  	_ =	task.clear_ibuf [dreg:s7], $0x6FFFF;
	_ =	strace $0x90000049  }
0xb3: {  	s29 =	simm.s32 $0x9;
	_ =	strace $0x8000004B  }
0xb4: {  	_ =	swait.ge [sflag:s29], $0x1  }
0xb5: {  	[sflag:s29] =	ssyncadd.s32 $0xFFFFFFFF  }
0xb6: {  	_ =	strace $0x9000004B  }
0xb7: {  	_ =	sfence  }
0xb8: {  	s30 =	sld [smem:$0x0];
	_ =	sdelay $0x2  }
0xb9: {  	s31 =	sshll.u32 s1, $0xD;
	s1 =	sshrl.u32 s1, $0x2  }
0xba: {  	s3 =	sand.u32 $0x4000, s31;
	s1 =	sadd.s32 s1, s30  }
0xbb: {  	s0 =	sor.u32 s3, s0;
	s1 =	sshll.u32 s1, $0x11  }
0xbc: {  	s0 =	sor.u32 s1, s0  }
0xbd: {  	s0 =	sadd.s32 $0x8F2B, s0  }
0xbe: {  	[sflag:s0] =	ssyncadd.remote.s32 $0x1  }
0xbf: {  	_ =	sfence.sel $0xFFFF  }
0xc0: {  	[dreg:$0x0] =	wrdreg $0xFFFFFFFF;
	(pc) =	sbr.abs _section_cstart, $3  }
0xc1: {  	[dreg:$0x1] =	wrdreg $0xFFFFFFFF  }
0xc2: {  	_ =	task.clear_ibuf [dreg:s7], $0x2FFFF;
	_ =	strace $0x9FFFFFFF  }
0xc3: {  	(tm) =	ssettm $0x7FFFFFFF  }
tec
execute0_lowered:
.L_overlay_start_1:
0x0: {  	(tag) =	ssettag $0x1  }
0x1: {  	s0 =	rddreg [dreg:$0x0]  }
0x2: {  	s1 =	rddreg [dreg:$0x1]  }
0x3: {  	s2 =	rddreg [dreg:$0x2]  }
0x4: {  	s4 =	srdreg.scid;
	s9 =	stileid.u32  }
0x5: {  	s3 =	simm.s32 $0x0;
	s28 =	simm.s32 $0x6800;
	s29 =	simm.s32 $0xC0  }
0x6: {  	s30 =	simm.s32 $0x8800;
	s31 =	simm.s32 $0x2;
	s6 =	smul.u32 $0x280, s9  }
0x7: {  	s5 =	sand.u32 $0x1, s4;
	[smem:$0x7FF] =	sst s3;
	s8 =	smul.u32 $0x50000, s9  }
0x8: {  	s4 =	sadd.s32 $0xC600, s0;
	s12 =	sadd.s32 $0x2600, s0;
	s7 =	smul.u32 $0x2800, s5  }
0x9: {  	_ =	strace $0x8000004A;
	s17 =	ssub.s32 $0x2, s5;
	s5 =	sshll.u32 s5, $0x4  }
0xa: {  	s18 =	sshrl.u32 s17, $0x1;
	s19 =	sor.u32 s9, s5;
	s20 =	sshrl.u32 s8, $0x2  }
0xb: {  	s6 =	sadd.s32 s7, s6;
	s5 =	sadd.s32 s20, s2;
	s23 =	smul.u32 $0x500, s19  }
0xc: {  	s20 =	simm.s32 $0x2800;
	s7 =	simm.s32 $0x2700;
	s6 =	sshll.u32 s6, $0x4  }
0xd: {  	s8 =	sadd.s32 $0x4000, s5;
	s9 =	sadd.s32 $0x8000, s5;
	s10 =	sadd.s32 $0xC000, s5  }
0xe: {  	s11 =	sadd.s32 $0x10000, s5;
	s0 =	sadd.s32 s6, s0;
	s6 =	ssub.s32 s17, s18  }
0xf: {  	s16 =	sadd.s32 s12, s23;
	s17 =	sadd.s32 s1, s23;
	s21 =	sadd.s32 $0x34600, s0  }
0x10: {  	s26 =	sadd.s32 $0x280, s23;
	s6 =	smax.u32 s6, $0x1;
	[dreg:$0x4] =	wrdreg s21  }
0x11: {  	s23 =	simm.s32 $0x1400;
	s22 =	sadd.s32 $0x34E00, s0;
	[dreg:$0x5] =	wrdreg s6  }
0x12: {  	s24 =	sadd.s32 $0x35600, s0;
	s25 =	sadd.s32 $0x35E00, s0;
	[dreg:$0x6] =	wrdreg s22  }
0x13: {  	s0 =	sadd.s32 $0x36600, s0;
	s18 =	sadd.s32 s12, s26;
	[dreg:$0x7] =	wrdreg s24  }
0x14: {  	s19 =	sadd.s32 s1, s26;
	s26 =	simm.s32 $0x80;
	[dreg:$0x8] =	wrdreg s25  }
0x15: {  	s1 =	simm.s32 $0x4;
	s12 =	simm.s32 $0x2780;
	[dreg:$0x9] =	wrdreg s0  }
0x16: {  	s21 =	simm.s32 $0x6;
	s22 =	simm.s32 $0x1;
	s24 =	simm.s32 $0x40  }
0x17: {  	v0 =	vimm.f32 $0.0e+00;
	s25 =	simm.s32 $0x4800;
	s0 =	simm.s32 $0x3;
	s6 =	simm.s32 $0x5  }
.LBB2_1:
0x18: {  	s13 =	simm.s32 $0x0;
	s14 =	simm.s32 $0x200  }
.LBB2_2:
0x19: {  	p0 =	sne.s32 s14, $0xFE00;
	[tilespmem:s13+$0x2870] =	vst v0  }
0x1a: {  	[tilespmem:s13+$0x2800] =	vst v0  }
0x1b: {  	[tilespmem:s13+$0x2810] =	vst v0  }
.Ltmp0:
0x1c: {  	[tilespmem:s13+$0x2820] =	vst v0;
	(pc) =	sbr.rel @p0 .LBB2_2-.Ltmp0, $4  }
0x1d: {  	[tilespmem:s13+$0x2830] =	vst v0  }
0x1e: {  	[tilespmem:s13+$0x2840] =	vst v0  }
0x1f: {  	[tilespmem:s13+$0x2850] =	vst v0  }
0x20: {  	[tilespmem:s13+$0x2860] =	vst v0;
	s13 =	sshra.s32 s14, $0x2;
	s14 =	sadd.s32 $0x200, s14  }
0x21: {  	[tilespmem:s13+$0x2870] =	vst v0  }
0x22: {  	[tilespmem:s13+$0x2800] =	vst v0  }
0x23: {  	[tilespmem:s13+$0x2810] =	vst v0  }
0x24: {  	[tilespmem:s13+$0x2820] =	vst v0  }
0x25: {  	[tilespmem:s13+$0x2830] =	vst v0  }
0x26: {  	[tilespmem:s13+$0x2840] =	vst v0  }
0x27: {  	[tilespmem:s13+$0x2850] =	vst v0  }
0x28: {  	[tilespmem:s13+$0x2860] =	vst v0  }
0x29: {  	[spmem:s5] =	stream.linear.scatter [tilespmem:s20], [sflag:$0x6], $0x4000, $0x38;
	[tilespmem:$0x1E800] =	vst v63  }
0x2a: {  	_ =	swait.ge [sflag:s21], $0x4000  }
0x2b: {  	[sflag:s21] =	ssyncset.done $0x0  }
0x2c: {  	[sflag:s21] =	ssyncadd.s32 $0xFFFFC000  }
0x2d: {  	[spmem:s8] =	stream.linear.scatter [tilespmem:s20], [sflag:$0x6], $0x4000, $0x38;
	[tilespmem:$0x1E800] =	vst v63  }
0x2e: {  	_ =	swait.ge [sflag:s21], $0x4000  }
0x2f: {  	[sflag:s21] =	ssyncset.done $0x0  }
0x30: {  	[sflag:s21] =	ssyncadd.s32 $0xFFFFC000  }
0x31: {  	[spmem:s9] =	stream.linear.scatter [tilespmem:s20], [sflag:$0x6], $0x4000, $0x38;
	[tilespmem:$0x1E800] =	vst v63  }
0x32: {  	_ =	swait.ge [sflag:s21], $0x4000  }
0x33: {  	[sflag:s21] =	ssyncset.done $0x0  }
0x34: {  	[sflag:s21] =	ssyncadd.s32 $0xFFFFC000  }
0x35: {  	[spmem:s10] =	stream.linear.scatter [tilespmem:s20], [sflag:$0x6], $0x4000, $0x38;
	[tilespmem:$0x1E800] =	vst v63  }
0x36: {  	_ =	swait.ge [sflag:s21], $0x4000  }
0x37: {  	[sflag:s21] =	ssyncset.done $0x0  }
0x38: {  	[sflag:s21] =	ssyncadd.s32 $0xFFFFC000  }
0x39: {  	[spmem:s11] =	stream.linear.scatter [tilespmem:s20], [sflag:$0x6], $0x4000, $0x38;
	[tilespmem:$0x1E800] =	vst v63  }
0x3a: {  	_ =	swait.ge [sflag:s21], $0x4000  }
0x3b: {  	[sflag:s21] =	ssyncset.done $0x0  }
0x3c: {  	[sflag:s21] =	ssyncadd.s32 $0xFFFFC000  }
0x3d: {  	s14 =	simm.s32 $0x0;
	[bflag:$0x0] =	sbarrier.arrive $0xFFFF  }
0x3e: {  	[tilespmem:s14], [sflag:$0x1] =	stream.linear.gather [hbm4b:s16+s14], $0x1400, $0x38;
	[tilespmem:$0x1E800] =	vst v63  }
0x3f: {  	_ =	swait.ge [sflag:s22], $0x1400  }
0x40: {  	[sflag:s22] =	ssyncset.done $0x0  }
0x41: {  	[sflag:s22] =	ssyncadd.s32 $0xFFFFEC00  }
0x42: {  	[tilespmem:s23], [sflag:$0x1] =	stream.linear.gather [hbm4b:s17+s14], $0x1400, $0x38;
	[tilespmem:$0x1E800] =	vst v63  }
0x43: {  	_ =	swait.ge [sflag:s22], $0x1400  }
0x44: {  	[sflag:s22] =	ssyncset.done $0x0  }
0x45: {  	[sflag:s22] =	ssyncadd.s32 $0xFFFFEC00  }
0x46: {  	[tilespmem:s20], [sflag:$0x2] =	stream.indirect.gather [hbm4b:s4+s24], $0x80, s14, s24, $0xb8;
	[tilespmem:$0x1E800] =	vst v63  }
0x47: {  	_ = 	snop  }
0x48: {  	[tilespmem:s25], [sflag:$0x3] =	stream.indirect.gather [hbm4b:s4+s24], $0x80, s24, s24, $0xb8;
	[tilespmem:$0x1E800] =	vst v63  }
0x49: {  	_ = 	snop  }
0x4a: {  	[tilespmem:s28], [sflag:$0x4] =	stream.indirect.gather [hbm4b:s4+s24], $0x80, s26, s24, $0xb8;
	[tilespmem:$0x1E800] =	vst v63  }
0x4b: {  	_ = 	snop  }
0x4c: {  	[tilespmem:s30], [sflag:$0x5] =	stream.indirect.gather [hbm4b:s4+s24], $0x80, s29, s24, $0xb8;
	[tilespmem:$0x1E800] =	vst v63  }
0x4d: {  	_ =	swait.ge [sflag:s31], $0x2000  }
0x4e: {  	[sflag:s31] =	ssyncset.done $0x0  }
0x4f: {  	[sflag:s31] =	ssyncadd.s32 $0xFFFFE000  }
0x50: {  	_ =	swait.ge [sflag:s0], $0x2000  }
0x51: {  	[sflag:s0] =	ssyncset.done $0x0  }
0x52: {  	s15 =	simm.s32 $0x1400;
	[sflag:s0] =	ssyncadd.s32 $0xFFFFE000  }
0x53: {  	[spmem:s2] =	stream.indirect.scatter.add.f32 [tilespmem:s20], [sflag:$0x6], $0x80, s15, s26, $0xb8;
	[tilespmem:$0x1E800] =	vst v63  }
0x54: {  	_ =	swait.ge [sflag:s21], $0x4000  }
0x55: {  	[sflag:s21] =	ssyncset.done $0x0  }
0x56: {  	s14 =	simm.s32 $0x100;
	[sflag:s21] =	ssyncadd.s32 $0xFFFFC000  }
0x57: {  	[tilespmem:s20], [sflag:$0x2] =	stream.indirect.gather [hbm4b:s4+s24], $0x80, s14, s24, $0xb8;
	[tilespmem:$0x1E800] =	vst v63  }
0x58: {  	s15 =	simm.s32 $0x140  }
0x59: {  	[tilespmem:s25], [sflag:$0x3] =	stream.indirect.gather [hbm4b:s4+s24], $0x80, s15, s24, $0xb8;
	[tilespmem:$0x1E800] =	vst v63  }
0x5a: {  	_ =	swait.ge [sflag:s1], $0x2000  }
0x5b: {  	[sflag:s1] =	ssyncset.done $0x0  }
0x5c: {  	[sflag:s1] =	ssyncadd.s32 $0xFFFFE000  }
0x5d: {  	_ =	swait.ge [sflag:s6], $0x2000  }
0x5e: {  	[sflag:s6] =	ssyncset.done $0x0  }
0x5f: {  	s14 =	simm.s32 $0x1480;
	[sflag:s6] =	ssyncadd.s32 $0xFFFFE000  }
0x60: {  	[spmem:s2] =	stream.indirect.scatter.add.f32 [tilespmem:s28], [sflag:$0x6], $0x80, s14, s26, $0xb8;
	[tilespmem:$0x1E800] =	vst v63  }
0x61: {  	_ =	swait.ge [sflag:s21], $0x4000  }
0x62: {  	s13 =	simm.s32 $0x400;
	[sflag:s21] =	ssyncset.done $0x0  }
0x63: {  	s15 =	simm.s32 $0x180;
	s14 =	simm.s32 $0x1C0;
	[sflag:s21] =	ssyncadd.s32 $0xFFFFC000  }
0x64: {  	[tilespmem:s28], [sflag:$0x4] =	stream.indirect.gather [hbm4b:s4+s24], $0x80, s15, s24, $0xb8;
	[tilespmem:$0x1E800] =	vst v63  }
.LBB2_4:
0x65: {  	[tilespmem:s30], [sflag:$0x5] =	stream.indirect.gather [hbm4b:s4+s24], $0x80, s14, s24, $0xb8;
	[tilespmem:$0x1E800] =	vst v63  }
0x66: {  	s14 =	smov.u32 s13  }
0x67: {  	p0 =	sne.s32 s13, $0x4800;
	s13 =	sadd.s32 $0x400, s13;
	_ =	swait.ge [sflag:s31], $0x2000  }
0x68: {  	[sflag:s31] =	ssyncset.done $0x0  }
0x69: {  	[sflag:s31] =	ssyncadd.s32 $0xFFFFE000  }
0x6a: {  	_ =	swait.ge [sflag:s0], $0x2000  }
0x6b: {  	s14 =	sshra.s32 s14, $0x2;
	[sflag:s0] =	ssyncset.done $0x0  }
0x6c: {  	s15 =	sadd.s32 $0x1400, s14;
	[sflag:s0] =	ssyncadd.s32 $0xFFFFE000  }
0x6d: {  	[spmem:s2] =	stream.indirect.scatter.add.f32 [tilespmem:s20], [sflag:$0x6], $0x80, s15, s26, $0xb8;
	[tilespmem:$0x1E800] =	vst v63  }
0x6e: {  	_ =	swait.ge [sflag:s21], $0x4000  }
0x6f: {  	[sflag:s21] =	ssyncset.done $0x0  }
0x70: {  	s15 =	sadd.s32 $0x100, s14;
	[sflag:s21] =	ssyncadd.s32 $0xFFFFC000  }
0x71: {  	[tilespmem:s20], [sflag:$0x2] =	stream.indirect.gather [hbm4b:s4+s24], $0x80, s15, s24, $0xb8;
	[tilespmem:$0x1E800] =	vst v63  }
0x72: {  	s15 =	sadd.s32 $0x140, s14  }
0x73: {  	[tilespmem:s25], [sflag:$0x3] =	stream.indirect.gather [hbm4b:s4+s24], $0x80, s15, s24, $0xb8;
	[tilespmem:$0x1E800] =	vst v63  }
0x74: {  	_ =	swait.ge [sflag:s1], $0x2000  }
0x75: {  	[sflag:s1] =	ssyncset.done $0x0  }
0x76: {  	[sflag:s1] =	ssyncadd.s32 $0xFFFFE000  }
0x77: {  	_ =	swait.ge [sflag:s6], $0x2000  }
0x78: {  	[sflag:s6] =	ssyncset.done $0x0  }
0x79: {  	s15 =	sadd.s32 $0x1480, s14;
	[sflag:s6] =	ssyncadd.s32 $0xFFFFE000  }
0x7a: {  	[spmem:s2] =	stream.indirect.scatter.add.f32 [tilespmem:s28], [sflag:$0x6], $0x80, s15, s26, $0xb8;
	[tilespmem:$0x1E800] =	vst v63  }
.Ltmp1:
0x7b: {  	_ =	swait.ge [sflag:s21], $0x4000;
	(pc) =	sbr.rel @p0 .LBB2_4-.Ltmp1, $4  }
0x7c: {  	[sflag:s21] =	ssyncset.done $0x0  }
0x7d: {  	s15 =	sadd.s32 $0x180, s14;
	[sflag:s21] =	ssyncadd.s32 $0xFFFFC000  }
0x7e: {  	[tilespmem:s28], [sflag:$0x4] =	stream.indirect.gather [hbm4b:s4+s24], $0x80, s15, s24, $0xb8;
	[tilespmem:$0x1E800] =	vst v63  }
0x7f: {  	s14 =	sadd.s32 $0x1C0, s14  }
0x80: {  	[tilespmem:s30], [sflag:$0x5] =	stream.indirect.gather [hbm4b:s4+s24], $0x80, s14, s24, $0xb8;
	[tilespmem:$0x1E800] =	vst v63  }
0x81: {  	_ =	swait.ge [sflag:s31], $0x2000  }
0x82: {  	[sflag:s31] =	ssyncset.done $0x0  }
0x83: {  	[sflag:s31] =	ssyncadd.s32 $0xFFFFE000  }
0x84: {  	_ =	swait.ge [sflag:s0], $0x2000  }
0x85: {  	[sflag:s0] =	ssyncset.done $0x0  }
0x86: {  	[sflag:s0] =	ssyncadd.s32 $0xFFFFE000  }
0x87: {  	[spmem:s2] =	stream.indirect.scatter.add.f32 [tilespmem:s20], [sflag:$0x6], $0x80, s7, s26, $0xb8;
	[tilespmem:$0x1E800] =	vst v63  }
0x88: {  	_ =	swait.ge [sflag:s21], $0x4000  }
0x89: {  	[sflag:s21] =	ssyncset.done $0x0  }
0x8a: {  	[sflag:s21] =	ssyncadd.s32 $0xFFFFC000  }
0x8b: {  	_ =	swait.ge [sflag:s1], $0x2000  }
0x8c: {  	[sflag:s1] =	ssyncset.done $0x0  }
0x8d: {  	[sflag:s1] =	ssyncadd.s32 $0xFFFFE000  }
0x8e: {  	_ =	swait.ge [sflag:s6], $0x2000  }
0x8f: {  	[sflag:s6] =	ssyncset.done $0x0  }
0x90: {  	[sflag:s6] =	ssyncadd.s32 $0xFFFFE000  }
0x91: {  	[spmem:s2] =	stream.indirect.scatter.add.f32 [tilespmem:s28], [sflag:$0x6], $0x80, s12, s26, $0xb8;
	[tilespmem:$0x1E800] =	vst v63  }
0x92: {  	_ =	swait.ge [sflag:s21], $0x4000  }
0x93: {  	[sflag:s21] =	ssyncset.done $0x0  }
0x94: {  	s13 =	simm.s32 $0x0;
	[sflag:s21] =	ssyncadd.s32 $0xFFFFC000  }
0x95: {  	[tilespmem:s13], [sflag:$0x1] =	stream.linear.gather [hbm4b:s18+s13], $0x1400, $0x38;
	[tilespmem:$0x1E800] =	vst v63  }
0x96: {  	_ =	swait.ge [sflag:s22], $0x1400  }
0x97: {  	[sflag:s22] =	ssyncset.done $0x0  }
0x98: {  	[sflag:s22] =	ssyncadd.s32 $0xFFFFEC00  }
0x99: {  	[tilespmem:s23], [sflag:$0x1] =	stream.linear.gather [hbm4b:s19+s13], $0x1400, $0x38;
	[tilespmem:$0x1E800] =	vst v63  }
0x9a: {  	_ =	swait.ge [sflag:s22], $0x1400  }
0x9b: {  	[sflag:s22] =	ssyncset.done $0x0  }
0x9c: {  	[sflag:s22] =	ssyncadd.s32 $0xFFFFEC00  }
0x9d: {  	[tilespmem:s20], [sflag:$0x2] =	stream.indirect.gather [hbm4b:s4+s24], $0x80, s13, s24, $0xb8;
	[tilespmem:$0x1E800] =	vst v63  }
0x9e: {  	_ = 	snop  }
0x9f: {  	[tilespmem:s25], [sflag:$0x3] =	stream.indirect.gather [hbm4b:s4+s24], $0x80, s24, s24, $0xb8;
	[tilespmem:$0x1E800] =	vst v63  }
0xa0: {  	_ = 	snop  }
0xa1: {  	[tilespmem:s28], [sflag:$0x4] =	stream.indirect.gather [hbm4b:s4+s24], $0x80, s26, s24, $0xb8;
	[tilespmem:$0x1E800] =	vst v63  }
0xa2: {  	_ = 	snop  }
0xa3: {  	[tilespmem:s30], [sflag:$0x5] =	stream.indirect.gather [hbm4b:s4+s24], $0x80, s29, s24, $0xb8;
	[tilespmem:$0x1E800] =	vst v63  }
0xa4: {  	_ =	swait.ge [sflag:s31], $0x2000  }
0xa5: {  	[sflag:s31] =	ssyncset.done $0x0  }
0xa6: {  	[sflag:s31] =	ssyncadd.s32 $0xFFFFE000  }
0xa7: {  	_ =	swait.ge [sflag:s0], $0x2000  }
0xa8: {  	[sflag:s0] =	ssyncset.done $0x0  }
0xa9: {  	s15 =	simm.s32 $0x1400;
	[sflag:s0] =	ssyncadd.s32 $0xFFFFE000  }
0xaa: {  	[spmem:s2] =	stream.indirect.scatter.add.f32 [tilespmem:s20], [sflag:$0x6], $0x80, s15, s26, $0xb8;
	[tilespmem:$0x1E800] =	vst v63  }
0xab: {  	_ =	swait.ge [sflag:s21], $0x4000  }
0xac: {  	[sflag:s21] =	ssyncset.done $0x0  }
0xad: {  	s14 =	simm.s32 $0x100;
	[sflag:s21] =	ssyncadd.s32 $0xFFFFC000  }
0xae: {  	[tilespmem:s20], [sflag:$0x2] =	stream.indirect.gather [hbm4b:s4+s24], $0x80, s14, s24, $0xb8;
	[tilespmem:$0x1E800] =	vst v63  }
0xaf: {  	s15 =	simm.s32 $0x140  }
0xb0: {  	[tilespmem:s25], [sflag:$0x3] =	stream.indirect.gather [hbm4b:s4+s24], $0x80, s15, s24, $0xb8;
	[tilespmem:$0x1E800] =	vst v63  }
0xb1: {  	_ =	swait.ge [sflag:s1], $0x2000  }
0xb2: {  	[sflag:s1] =	ssyncset.done $0x0  }
0xb3: {  	[sflag:s1] =	ssyncadd.s32 $0xFFFFE000  }
0xb4: {  	_ =	swait.ge [sflag:s6], $0x2000  }
0xb5: {  	[sflag:s6] =	ssyncset.done $0x0  }
0xb6: {  	s14 =	simm.s32 $0x1480;
	[sflag:s6] =	ssyncadd.s32 $0xFFFFE000  }
0xb7: {  	[spmem:s2] =	stream.indirect.scatter.add.f32 [tilespmem:s28], [sflag:$0x6], $0x80, s14, s26, $0xb8;
	[tilespmem:$0x1E800] =	vst v63  }
0xb8: {  	_ =	swait.ge [sflag:s21], $0x4000  }
0xb9: {  	s13 =	simm.s32 $0x400;
	[sflag:s21] =	ssyncset.done $0x0  }
0xba: {  	s15 =	simm.s32 $0x180;
	s14 =	simm.s32 $0x1C0;
	[sflag:s21] =	ssyncadd.s32 $0xFFFFC000  }
0xbb: {  	[tilespmem:s28], [sflag:$0x4] =	stream.indirect.gather [hbm4b:s4+s24], $0x80, s15, s24, $0xb8;
	[tilespmem:$0x1E800] =	vst v63  }
.LBB2_6:
0xbc: {  	[tilespmem:s30], [sflag:$0x5] =	stream.indirect.gather [hbm4b:s4+s24], $0x80, s14, s24, $0xb8;
	[tilespmem:$0x1E800] =	vst v63  }
0xbd: {  	s14 =	smov.u32 s13  }
0xbe: {  	p0 =	sne.s32 s13, $0x4800;
	s13 =	sadd.s32 $0x400, s13;
	_ =	swait.ge [sflag:s31], $0x2000  }
0xbf: {  	[sflag:s31] =	ssyncset.done $0x0  }
0xc0: {  	[sflag:s31] =	ssyncadd.s32 $0xFFFFE000  }
0xc1: {  	_ =	swait.ge [sflag:s0], $0x2000  }
0xc2: {  	s14 =	sshra.s32 s14, $0x2;
	[sflag:s0] =	ssyncset.done $0x0  }
0xc3: {  	s15 =	sadd.s32 $0x1400, s14;
	[sflag:s0] =	ssyncadd.s32 $0xFFFFE000  }
0xc4: {  	[spmem:s2] =	stream.indirect.scatter.add.f32 [tilespmem:s20], [sflag:$0x6], $0x80, s15, s26, $0xb8;
	[tilespmem:$0x1E800] =	vst v63  }
0xc5: {  	_ =	swait.ge [sflag:s21], $0x4000  }
0xc6: {  	[sflag:s21] =	ssyncset.done $0x0  }
0xc7: {  	s15 =	sadd.s32 $0x100, s14;
	[sflag:s21] =	ssyncadd.s32 $0xFFFFC000  }
0xc8: {  	[tilespmem:s20], [sflag:$0x2] =	stream.indirect.gather [hbm4b:s4+s24], $0x80, s15, s24, $0xb8;
	[tilespmem:$0x1E800] =	vst v63  }
0xc9: {  	s15 =	sadd.s32 $0x140, s14  }
0xca: {  	[tilespmem:s25], [sflag:$0x3] =	stream.indirect.gather [hbm4b:s4+s24], $0x80, s15, s24, $0xb8;
	[tilespmem:$0x1E800] =	vst v63  }
0xcb: {  	_ =	swait.ge [sflag:s1], $0x2000  }
0xcc: {  	[sflag:s1] =	ssyncset.done $0x0  }
0xcd: {  	[sflag:s1] =	ssyncadd.s32 $0xFFFFE000  }
0xce: {  	_ =	swait.ge [sflag:s6], $0x2000  }
0xcf: {  	[sflag:s6] =	ssyncset.done $0x0  }
0xd0: {  	s15 =	sadd.s32 $0x1480, s14;
	[sflag:s6] =	ssyncadd.s32 $0xFFFFE000  }
0xd1: {  	[spmem:s2] =	stream.indirect.scatter.add.f32 [tilespmem:s28], [sflag:$0x6], $0x80, s15, s26, $0xb8;
	[tilespmem:$0x1E800] =	vst v63  }
.Ltmp2:
0xd2: {  	_ =	swait.ge [sflag:s21], $0x4000;
	(pc) =	sbr.rel @p0 .LBB2_6-.Ltmp2, $4  }
0xd3: {  	[sflag:s21] =	ssyncset.done $0x0  }
0xd4: {  	s15 =	sadd.s32 $0x180, s14;
	[sflag:s21] =	ssyncadd.s32 $0xFFFFC000  }
0xd5: {  	[tilespmem:s28], [sflag:$0x4] =	stream.indirect.gather [hbm4b:s4+s24], $0x80, s15, s24, $0xb8;
	[tilespmem:$0x1E800] =	vst v63  }
0xd6: {  	s14 =	sadd.s32 $0x1C0, s14  }
0xd7: {  	[tilespmem:s30], [sflag:$0x5] =	stream.indirect.gather [hbm4b:s4+s24], $0x80, s14, s24, $0xb8;
	[tilespmem:$0x1E800] =	vst v63  }
0xd8: {  	_ =	swait.ge [sflag:s31], $0x2000  }
0xd9: {  	[sflag:s31] =	ssyncset.done $0x0  }
0xda: {  	[sflag:s31] =	ssyncadd.s32 $0xFFFFE000  }
0xdb: {  	_ =	swait.ge [sflag:s0], $0x2000  }
0xdc: {  	[sflag:s0] =	ssyncset.done $0x0  }
0xdd: {  	[sflag:s0] =	ssyncadd.s32 $0xFFFFE000  }
0xde: {  	[spmem:s2] =	stream.indirect.scatter.add.f32 [tilespmem:s20], [sflag:$0x6], $0x80, s7, s26, $0xb8;
	[tilespmem:$0x1E800] =	vst v63  }
0xdf: {  	_ =	swait.ge [sflag:s21], $0x4000  }
0xe0: {  	[sflag:s21] =	ssyncset.done $0x0  }
0xe1: {  	[sflag:s21] =	ssyncadd.s32 $0xFFFFC000  }
0xe2: {  	_ =	swait.ge [sflag:s1], $0x2000  }
0xe3: {  	[sflag:s1] =	ssyncset.done $0x0  }
0xe4: {  	[sflag:s1] =	ssyncadd.s32 $0xFFFFE000  }
0xe5: {  	_ =	swait.ge [sflag:s6], $0x2000  }
0xe6: {  	[sflag:s6] =	ssyncset.done $0x0  }
0xe7: {  	[sflag:s6] =	ssyncadd.s32 $0xFFFFE000  }
0xe8: {  	[spmem:s2] =	stream.indirect.scatter.add.f32 [tilespmem:s28], [sflag:$0x6], $0x80, s12, s26, $0xb8;
	[tilespmem:$0x1E800] =	vst v63  }
0xe9: {  	_ =	swait.ge [sflag:s21], $0x4000  }
0xea: {  	[sflag:s21] =	ssyncset.done $0x0  }
0xeb: {  	s13 =	stileid.u32;
	[sflag:s21] =	ssyncadd.s32 $0xFFFFC000  }
0xec: {  	s13 =	sshll.u32 s13, $0x6;
	[bflag:$0x0] =	sbarrier.arrive $0xFFFF  }
0xed: {  	s14 =	sshrl.u32 s5, $0x3;
	s13 =	sor.u32 $0x1C06, s13;
	s15 =	rddreg [dreg:$0x4]  }
0xee: {  	[hbm:s15], [sflag:s13] =	dma.local [spmem:s14], $0x800  }
0xef: {  	_ =	swait.ge [sflag:s21], $0x800  }
0xf0: {  	[sflag:s21] =	ssyncset.done $0x0  }
0xf1: {  	s14 =	sshrl.u32 s8, $0x3;
	s15 =	rddreg [dreg:$0x6];
	[sflag:s21] =	ssyncadd.s32 $0xFFFFF800  }
0xf2: {  	[hbm:s15], [sflag:s13] =	dma.local [spmem:s14], $0x800  }
0xf3: {  	_ =	swait.ge [sflag:s21], $0x800  }
0xf4: {  	[sflag:s21] =	ssyncset.done $0x0  }
0xf5: {  	s14 =	sshrl.u32 s9, $0x3;
	s15 =	rddreg [dreg:$0x7];
	[sflag:s21] =	ssyncadd.s32 $0xFFFFF800  }
0xf6: {  	[hbm:s15], [sflag:s13] =	dma.local [spmem:s14], $0x800  }
0xf7: {  	_ =	swait.ge [sflag:s21], $0x800  }
0xf8: {  	[sflag:s21] =	ssyncset.done $0x0  }
0xf9: {  	s14 =	sshrl.u32 s10, $0x3;
	s15 =	rddreg [dreg:$0x8];
	[sflag:s21] =	ssyncadd.s32 $0xFFFFF800  }
0xfa: {  	[hbm:s15], [sflag:s13] =	dma.local [spmem:s14], $0x800  }
0xfb: {  	_ =	swait.ge [sflag:s21], $0x800  }
0xfc: {  	[sflag:s21] =	ssyncset.done $0x0  }
0xfd: {  	s14 =	sshrl.u32 s11, $0x3;
	s15 =	rddreg [dreg:$0x9];
	[sflag:s21] =	ssyncadd.s32 $0xFFFFF800  }
0xfe: {  	[hbm:s15], [sflag:s13] =	dma.local [spmem:s14], $0x800  }
0xff: {  	_ =	swait.ge [sflag:s21], $0x800  }
0x100: {  	s3 =	sadd.s32 $0x1, s3;
	s15 =	rddreg [dreg:$0x5]  }
0x101: {  	p0 =	sne.s32 s3, s15  }
.Ltmp3:
0x102: {  	_ = 	snop;
	(pc) =	sbr.rel @p0 .LBB2_1-.Ltmp3, $3  }
0x103: {  	_ =	sdelay $0x1  }
0x104: {  	[sflag:s21] =	ssyncset.done $0x0  }
0x105: {  	[sflag:s21] =	ssyncadd.s32 $0xFFFFF800  }
0x106: {  	_ =	sfence.sel $0x180000  }
0x107: {  	[bflag:$0x0] =	sbarrier.arrive $0xFFFF  }
0x108: {  	_ =	strace $0x9000004A  }
0x109: {  	s0 =	stileid.u32;
	[bflag:$0x2] =	sbarrier.arrive $0xFFFF  }
0x10a: {  	p0 =	sne.s32 s0, $0x0;
	s0 =	rddreg [dreg:$0x3]  }
0x10b: {  	s0 =	sadd.s32 @!p0 $0x100000, s0  }
0x10c: {  	[sflag:s0] =	ssyncadd.tile.s32 @!p0 $0x1;
	_ =	shalt  }
.Lfunc_end2:
_tile_overlayer_lowered:
.L_overlay_start_2:
0x10d: {  	(tag) =	ssettag $0x2  }
0x10e: {  	s0 =	rddreg [dreg:$0x0];
	s2 =	stileid.u32  }
0x10f: {  	s1 =	rddreg [dreg:$0x1];
	p0 =	sne.s32 s2, $0x0  }
0x110: {  	s3 =	rddreg [dreg:$0x2];
	[bflag:$0x3] =	sbarrier.arrive $0xFFFF;
	s2 =	simm.s32 @!p0 $0x1C06  }
0x111: {  	[timem:s3], [sflag:s2] =	dma.local @!p0 [hbm:s0], s1  }
0x112: {  	s0 =	simm.s32 @!p0 $0x6  }
0x113: {  	_ =	swait.ge @!p0 [sflag:s0], s1  }
0x114: {  	s1 =	ssub.s32 @!p0 $0x0, s1;
	[sflag:s0] =	ssyncset.done @!p0 $0x0  }
0x115: {  	[sflag:s0] =	ssyncadd.s32 @!p0 s1  }
0x116: {  	[bflag:$0x3] =	sbarrier.arrive $0xFFFF  }
0x117: {  	_ =	shalt  }

// kernel: kernel.14.cloned.1.call-start
scs
__scs_entry_jumppad:
0x0: {  	(pc) =	sbr.rel $0x88, $3  }
0x1: {  	(tag) =	ssettag $0x0;
	lr =	simm.s32 $0x1  }
0x2: {  	[smem:$0x3F9B] =	sst lr;
	_ =	strace $0xD0000000  }
0x3: {  	_ = 	snop  }
0x4: {  	_ = 	snop  }
0x5: {  	_ = 	snop  }
0x6: {  	_ = 	snop  }
0x7: {  	_ = 	snop  }
__scs_overlays_trampoline_lowered:
0x8: {  	[smem:$0x3FAA] =	sst s0  }
0x9: {  	[smem:$0x3FAB] =	sst s1  }
0xa: {  	[smem:$0x3FAC] =	sst s2  }
0xb: {  	[smem:$0x3FAD] =	sst s3  }
0xc: {  	[smem:$0x3FAE] =	sst s4  }
0xd: {  	[smem:$0x3FAF] =	sst s5  }
0xe: {  	[smem:$0x3FB0] =	sst s6  }
0xf: {  	[smem:$0x3FB1] =	sst s7  }
0x10: {  	[smem:$0x3FB2] =	sst s8  }
0x11: {  	[smem:$0x3FB3] =	sst s9;
	s0 =	simm.s32 @!p0 $0x0  }
0x12: {  	s1 =	sld [smem:$0x3F99];
	s0 =	simm.s32 @p0 $0x1  }
0x13: {  	[smem:$0x3FB4] =	sst s0;
	s0 =	simm.s32 @!p1 $0x0  }
0x14: {  	s2 =	sld [smem:$0x3F98];
	s0 =	simm.s32 @p1 $0x1  }
0x15: {  	[smem:$0x3FB5] =	sst s0;
	s0 =	simm.s32 @!p2 $0x0  }
0x16: {  	s3 =	sld [smem:$0x3FDB];
	s0 =	simm.s32 @p2 $0x1  }
0x17: {  	s4 =	simm.s32 $0x1BF5;
	[smem:$0x3FB7] =	sst s0  }
0x18: {  	s0 =	sld [smem:$0x3F9A];
	_ =	swait.ge [sflag:s4], $0x0  }
0x19: {  	s7 =	sld [smem:$0x3F9B]  }
0x1a: {  	s8 =	sadd.s32 $0xFFFFE003, lr  }
0x1b: {  	s9 =	sadd.s32 $0xFFFFFEF7, lr;
	s5 =	simm.s32 $0xFFFFFFFF;
	p2 =	slt.u32 s8, $0xFFFFF086  }
0x1c: {  	p1 =	slt.u32 s9, $0xF7A;
	s5 =	simm.s32 @!p2 $0x0  }
0x1d: {  	s5 =	simm.s32 @p1 $0x1;
	p0 =	seq.s32 s7, s2  }
0x1e: {  	s7 =	smul.u32 @!p0 $0xF7A, s2;
	p2 =	seq.s32 @!p0 s5, $0x0  }
0x1f: {  	s9 =	smul.u32 $0xF7A, s1;
	s8 =	simm.s32 @!p0 $0x1BF5;
	p2 =	por !p2, p0  }
0x20: {  	[sflag:s8] =	ssyncset.s32 @!p0 $0xFFFFF086;
	s6 =	sadd.s32 @!p0 s3, s7;
	s7 =	simm.s32 @!p0 $0x108  }
0x21: {  	s3 =	sadd.s32 s3, s9;
	s6 =	sadd.s32 @!p0 $0x88, s6;
	s7 =	simm.s32 @p2 $0x1082  }
0x22: {  	[simem:s7], [sflag:s8] =	dma.local @!p0 [hbm:s6], $0xF7A  }
0x23: {  	s9 =	sor.u32 $0xD0000000, s2;
	s6 =	simm.s32 $0x108;
	_ =	swait.ge @!p0 [sflag:s8], $0x0  }
0x24: {  	s3 =	sadd.s32 $0x88, s3;
	s6 =	simm.s32 @!p1 $0x1082;
	[sflag:s4] =	ssyncset.s32 $0xFFFFF086  }
0x25: {  	[simem:s6], [sflag:s4] =	dma.local [hbm:s3], $0xF7A  }
0x26: {  	[smem:$0x3F9B] =	sst s1;
	(tag) =	ssettag s2;
	_ =	strace s9  }
0x27: {  	s1 =	sld [smem:$0x3FAB]  }
0x28: {  	s2 =	sld [smem:$0x3FAC]  }
0x29: {  	s4 =	sld [smem:$0x3FAE]  }
0x2a: {  	p0 =	seq.s32 s5, $0x0;
	s5 =	sld [smem:$0x3FAF]  }
0x2b: {  	s6 =	sld [smem:$0x3FB0]  }
0x2c: {  	s7 =	sld [smem:$0x3FB1]  }
0x2d: {  	s3 =	simm.s32 $0x108;
	s8 =	sld [smem:$0x3FB2]  }
0x2e: {  	s3 =	simm.s32 @!p0 $0x1082;
	s9 =	sld [smem:$0x3FB3]  }
0x2f: {  	lr =	sadd.s32 s0, s3;
	s0 =	sld [smem:$0x3FAA]  }
0x30: {  	s3 =	sld [smem:$0x3FAD]  }
0x31: {  	[smem:$0x3FB6] =	sst s10  }
0x32: {  	s10 =	sld [smem:$0x3FB4];
	_ =	sdelay $0x3  }
0x33: {  	p0 =	seq.s32 s10, $0x1;
	s10 =	sld [smem:$0x3FB6];
	_ =	sdelay $0x3  }
0x34: {  	[smem:$0x3FB6] =	sst s10  }
0x35: {  	s10 =	sld [smem:$0x3FB5];
	_ =	sdelay $0x3  }
0x36: {  	p1 =	seq.s32 s10, $0x1;
	s10 =	sld [smem:$0x3FB6];
	_ =	sdelay $0x3  }
0x37: {  	[smem:$0x3FB6] =	sst s10  }
0x38: {  	s10 =	sld [smem:$0x3FB7]  }
0x39: {  	_ = 	snop;
	(pc) =	sbr.ind lr, $3  }
0x3a: {  	_ = 	snop  }
0x3b: {  	_ = 	snop  }
0x3c: {  	p2 =	seq.s32 s10, $0x1;
	s10 =	sld [smem:$0x3FB6]  }
0x3d: {  	_ =	shalt  }
0x3e: {  	_ =	shalt  }
0x3f: {  	_ =	shalt  }
0x40: {  	_ =	shalt  }
0x41: {  	_ =	shalt  }
0x42: {  	_ =	shalt  }
0x43: {  	_ =	shalt  }
0x44: {  	_ =	shalt  }
0x45: {  	_ =	shalt  }
0x46: {  	_ =	shalt  }
0x47: {  	_ =	shalt  }
0x48: {  	_ =	shalt  }
0x49: {  	_ =	shalt  }
0x4a: {  	_ =	shalt  }
0x4b: {  	_ =	shalt  }
0x4c: {  	_ =	shalt  }
0x4d: {  	_ =	shalt  }
0x4e: {  	_ =	shalt  }
0x4f: {  	_ =	shalt  }
0x50: {  	_ =	shalt  }
0x51: {  	_ =	shalt  }
0x52: {  	_ =	shalt  }
0x53: {  	_ =	shalt  }
0x54: {  	_ =	shalt  }
0x55: {  	_ =	shalt  }
0x56: {  	_ =	shalt  }
0x57: {  	_ =	shalt  }
0x58: {  	_ =	shalt  }
0x59: {  	_ =	shalt  }
0x5a: {  	_ =	shalt  }
0x5b: {  	_ =	shalt  }
0x5c: {  	_ =	shalt  }
0x5d: {  	_ =	shalt  }
0x5e: {  	_ =	shalt  }
0x5f: {  	_ =	shalt  }
0x60: {  	_ =	shalt  }
0x61: {  	_ =	shalt  }
0x62: {  	_ =	shalt  }
0x63: {  	_ =	shalt  }
0x64: {  	_ =	shalt  }
0x65: {  	_ =	shalt  }
0x66: {  	_ =	shalt  }
0x67: {  	_ =	shalt  }
0x68: {  	_ =	shalt  }
0x69: {  	_ =	shalt  }
0x6a: {  	_ =	shalt  }
0x6b: {  	_ =	shalt  }
0x6c: {  	_ =	shalt  }
0x6d: {  	_ =	shalt  }
0x6e: {  	_ =	shalt  }
0x6f: {  	_ =	shalt  }
0x70: {  	_ =	shalt  }
0x71: {  	_ =	shalt  }
0x72: {  	_ =	shalt  }
0x73: {  	_ =	shalt  }
0x74: {  	_ =	shalt  }
0x75: {  	_ =	shalt  }
0x76: {  	_ =	shalt  }
0x77: {  	_ =	shalt  }
0x78: {  	_ =	shalt  }
0x79: {  	_ =	shalt  }
0x7a: {  	_ =	shalt  }
0x7b: {  	_ =	shalt  }
0x7c: {  	_ =	shalt  }
0x7d: {  	_ =	shalt  }
0x7e: {  	_ =	shalt  }
0x7f: {  	_ =	shalt  }
0x80: {  	_ =	shalt  }
0x81: {  	_ =	shalt  }
0x82: {  	_ =	shalt  }
0x83: {  	_ =	shalt  }
0x84: {  	_ =	shalt  }
0x85: {  	_ =	shalt  }
0x86: {  	_ =	shalt  }
0x87: {  	_ =	shalt  }
.Lfunc_end0:
.L_simem_size_0:
called_computation.2_lowered:
.L_overlay_start_0:
0x88: {  	s2 =	sld [smem:$0x3FD9]  }
0x89: {  	s3 =	sld [smem:$0x3FFE];
	_ =	sdelay $0x1  }
0x8a: {  	s1 =	srdreg.scid  }
0x8b: {  	s0 =	sand.u32 $0x1, s1  }
0x8c: {  	s17 =	sshll.u32 s0, $0xA;
	s2 =	sadd.s32 s3, s2  }
0x8d: {  	s2 =	sadd.s32 s2, s17  }
0x8e: {  	[smem:$0x3FC2] =	sst s2  }
0x8f: {  	_ = 	snop  }
0x90: {  	s2 =	sld [smem:$0x3FD0];
	(tm) =	ssettm $0x1  }
0x91: {  	s18 =	sld [smem:$0x3FFB];
	_ =	sdelay $0x3  }
0x92: {  	_ =	strace s18  }
0x93: {  	s3 =	sld [smem:$0x3FFC];
	_ =	sdelay $0x3  }
0x94: {  	_ =	strace s3  }
0x95: {  	s3 =	sld [smem:$0x3FFD];
	_ =	sdelay $0x3  }
0x96: {  	_ =	strace s3  }
0x97: {  	_ =	strace $0x8FFFFFFF  }
0x98: {  	s19 =	sld [smem:$0x3FDB];
	_ =	sdelay $0x1  }
0x99: {  	s4 =	simm.s32 $_scs_section_size  }
0x9a: {  	s5 =	simm.s32 $_size__tile_overlayer_lowered;
	s6 =	simm.s32 $_tile_overlayer_lowered  }
0x9b: {  	s22 =	simm.s32 $0x1BFF;
	s21 =	sshll.u32 s6, $0x1;
	s3 =	sadd.s32 s4, s19  }
0x9c: {  	s7 =	simm.s32 $0x0;
	s20 =	sshll.u32 s5, $0x1;
	s5 =	sadd.s32 s21, s3  }
0x9d: {  	[timem:s7], [sflag:s22] =	dma.local [hbm:s5], s20  }
0x9e: {  	_ =	swait.ge [sflag:s22], s20  }
0x9f: {  	s4 =	ssub.s32 $0x0, s20;
	[sflag:s22] =	ssyncset.done $0x0  }
0xa0: {  	[sflag:s22] =	ssyncadd.s32 s4;
	_ =	sdelay $0x1  }
0xa1: {  	s23 =	simm.s32 $0x1B8B  }
0xa2: {  	_ =	swait.ge [sflag:s23], $0x1  }
0xa3: {  	[sflag:s23] =	ssyncset.done $0x0  }
0xa4: {  	s25 =	simm.s32 $0x1B8E;
	s24 =	sld [smem:$0x3FFE];
	[sflag:s23] =	ssyncadd.s32 $0xFFFFFFFF  }
0xa5: {  	s26 =	simm.s32 $execute0_lowered;
	[smem:$0x3FD2] =	sst s25  }
0xa6: {  	s5 =	sshll.u32 s26, $0x1;
	_ =	strace $0x8000004C;
	[dreg:$0x1] =	wrdreg $0xFFFFFFFF  }
0xa7: {  	s28 =	simm.s32 $_size_execute0_lowered;
	s3 =	sadd.s32 s3, s5;
	[dreg:$0x0] =	wrdreg $0x0  }
0xa8: {  	s5 =	sshll.u32 s28, $0x1;
	[dreg:$0x2] =	wrdreg s3  }
0xa9: {  	[dreg:$0x3] =	wrdreg s5  }
0xaa: {  	[dreg:$0x4] =	wrdreg $0xC0  }
0xab: {  	_ =	task [dreg:s7], $0x5FFFF  }
0xac: {  	[dreg:$0x1] =	wrdreg $0xFFFFFFFF  }
0xad: {  	[dreg:$0x0] =	wrdreg $0x60  }
0xae: {  	[dreg:$0x2] =	wrdreg s24  }
0xaf: {  	[dreg:$0x3] =	wrdreg s2  }
0xb0: {  	[dreg:$0x4] =	wrdreg $0xA8000  }
0xb1: {  	[dreg:$0x5] =	wrdreg $0x9  }
0xb2: {  	_ =	task.clear_ibuf [dreg:s7], $0x6FFFF;
	_ =	strace $0x9000004C  }
0xb3: {  	s29 =	simm.s32 $0x9;
	_ =	strace $0x8000004E  }
0xb4: {  	_ =	swait.ge [sflag:s29], $0x1  }
0xb5: {  	[sflag:s29] =	ssyncadd.s32 $0xFFFFFFFF  }
0xb6: {  	_ =	strace $0x9000004E  }
0xb7: {  	_ =	sfence  }
0xb8: {  	s30 =	sld [smem:$0x0];
	_ =	sdelay $0x2  }
0xb9: {  	s31 =	sshll.u32 s1, $0xD;
	s1 =	sshrl.u32 s1, $0x2  }
0xba: {  	s3 =	sand.u32 $0x4000, s31;
	s1 =	sadd.s32 s1, s30  }
0xbb: {  	s0 =	sor.u32 s3, s0;
	s1 =	sshll.u32 s1, $0x11  }
0xbc: {  	s0 =	sor.u32 s1, s0  }
0xbd: {  	s0 =	sadd.s32 $0x8F2B, s0  }
0xbe: {  	[sflag:s0] =	ssyncadd.remote.s32 $0x1  }
0xbf: {  	_ =	sfence.sel $0xFFFF  }
0xc0: {  	[dreg:$0x0] =	wrdreg $0xFFFFFFFF;
	(pc) =	sbr.abs _section_cstart, $3  }
0xc1: {  	[dreg:$0x1] =	wrdreg $0xFFFFFFFF  }
0xc2: {  	_ =	task.clear_ibuf [dreg:s7], $0x2FFFF;
	_ =	strace $0x9FFFFFFF  }
0xc3: {  	(tm) =	ssettm $0x7FFFFFFF  }
tec
execute0_lowered:
.L_overlay_start_1:
0x0: {  	(tag) =	ssettag $0x1  }
0x1: {  	s0 =	rddreg [dreg:$0x0]  }
0x2: {  	s1 =	rddreg [dreg:$0x1]  }
0x3: {  	s2 =	rddreg [dreg:$0x2]  }
0x4: {  	s4 =	srdreg.scid;
	s9 =	stileid.u32  }
0x5: {  	s3 =	simm.s32 $0x0;
	s28 =	simm.s32 $0x6800;
	s29 =	simm.s32 $0xC0  }
0x6: {  	s30 =	simm.s32 $0x8800;
	s31 =	simm.s32 $0x2;
	s6 =	smul.u32 $0x280, s9  }
0x7: {  	s5 =	sand.u32 $0x1, s4;
	[smem:$0x7FF] =	sst s3;
	s8 =	smul.u32 $0x50000, s9  }
0x8: {  	s4 =	sadd.s32 $0xC600, s0;
	s12 =	sadd.s32 $0x2600, s0;
	s7 =	smul.u32 $0x2800, s5  }
0x9: {  	_ =	strace $0x8000004D;
	s17 =	ssub.s32 $0x2, s5;
	s5 =	sshll.u32 s5, $0x4  }
0xa: {  	s18 =	sshrl.u32 s17, $0x1;
	s19 =	sor.u32 s9, s5;
	s20 =	sshrl.u32 s8, $0x2  }
0xb: {  	s6 =	sadd.s32 s7, s6;
	s5 =	sadd.s32 s20, s2;
	s23 =	smul.u32 $0x500, s19  }
0xc: {  	s20 =	simm.s32 $0x2800;
	s7 =	simm.s32 $0x2700;
	s6 =	sshll.u32 s6, $0x4  }
0xd: {  	s8 =	sadd.s32 $0x4000, s5;
	s9 =	sadd.s32 $0x8000, s5;
	s10 =	sadd.s32 $0xC000, s5  }
0xe: {  	s11 =	sadd.s32 $0x10000, s5;
	s0 =	sadd.s32 s6, s0;
	s6 =	ssub.s32 s17, s18  }
0xf: {  	s16 =	sadd.s32 s12, s23;
	s17 =	sadd.s32 s1, s23;
	s21 =	sadd.s32 $0x34600, s0  }
0x10: {  	s26 =	sadd.s32 $0x280, s23;
	s6 =	smax.u32 s6, $0x1;
	[dreg:$0x4] =	wrdreg s21  }
0x11: {  	s23 =	simm.s32 $0x1400;
	s22 =	sadd.s32 $0x34E00, s0;
	[dreg:$0x5] =	wrdreg s6  }
0x12: {  	s24 =	sadd.s32 $0x35600, s0;
	s25 =	sadd.s32 $0x35E00, s0;
	[dreg:$0x6] =	wrdreg s22  }
0x13: {  	s0 =	sadd.s32 $0x36600, s0;
	s18 =	sadd.s32 s12, s26;
	[dreg:$0x7] =	wrdreg s24  }
0x14: {  	s19 =	sadd.s32 s1, s26;
	s26 =	simm.s32 $0x80;
	[dreg:$0x8] =	wrdreg s25  }
0x15: {  	s1 =	simm.s32 $0x4;
	s12 =	simm.s32 $0x2780;
	[dreg:$0x9] =	wrdreg s0  }
0x16: {  	s21 =	simm.s32 $0x6;
	s22 =	simm.s32 $0x1;
	s24 =	simm.s32 $0x40  }
0x17: {  	v0 =	vimm.f32 $0.0e+00;
	s25 =	simm.s32 $0x4800;
	s0 =	simm.s32 $0x3;
	s6 =	simm.s32 $0x5  }
.LBB2_1:
0x18: {  	s13 =	simm.s32 $0x0;
	s14 =	simm.s32 $0x200  }
.LBB2_2:
0x19: {  	p0 =	sne.s32 s14, $0xFE00;
	[tilespmem:s13+$0x2870] =	vst v0  }
0x1a: {  	[tilespmem:s13+$0x2800] =	vst v0  }
0x1b: {  	[tilespmem:s13+$0x2810] =	vst v0  }
.Ltmp0:
0x1c: {  	[tilespmem:s13+$0x2820] =	vst v0;
	(pc) =	sbr.rel @p0 .LBB2_2-.Ltmp0, $4  }
0x1d: {  	[tilespmem:s13+$0x2830] =	vst v0  }
0x1e: {  	[tilespmem:s13+$0x2840] =	vst v0  }
0x1f: {  	[tilespmem:s13+$0x2850] =	vst v0  }
0x20: {  	[tilespmem:s13+$0x2860] =	vst v0;
	s13 =	sshra.s32 s14, $0x2;
	s14 =	sadd.s32 $0x200, s14  }
0x21: {  	[tilespmem:s13+$0x2870] =	vst v0  }
0x22: {  	[tilespmem:s13+$0x2800] =	vst v0  }
0x23: {  	[tilespmem:s13+$0x2810] =	vst v0  }
0x24: {  	[tilespmem:s13+$0x2820] =	vst v0  }
0x25: {  	[tilespmem:s13+$0x2830] =	vst v0  }
0x26: {  	[tilespmem:s13+$0x2840] =	vst v0  }
0x27: {  	[tilespmem:s13+$0x2850] =	vst v0  }
0x28: {  	[tilespmem:s13+$0x2860] =	vst v0  }
0x29: {  	[spmem:s5] =	stream.linear.scatter [tilespmem:s20], [sflag:$0x6], $0x4000, $0x38;
	[tilespmem:$0x1E800] =	vst v63  }
0x2a: {  	_ =	swait.ge [sflag:s21], $0x4000  }
0x2b: {  	[sflag:s21] =	ssyncset.done $0x0  }
0x2c: {  	[sflag:s21] =	ssyncadd.s32 $0xFFFFC000  }
0x2d: {  	[spmem:s8] =	stream.linear.scatter [tilespmem:s20], [sflag:$0x6], $0x4000, $0x38;
	[tilespmem:$0x1E800] =	vst v63  }
0x2e: {  	_ =	swait.ge [sflag:s21], $0x4000  }
0x2f: {  	[sflag:s21] =	ssyncset.done $0x0  }
0x30: {  	[sflag:s21] =	ssyncadd.s32 $0xFFFFC000  }
0x31: {  	[spmem:s9] =	stream.linear.scatter [tilespmem:s20], [sflag:$0x6], $0x4000, $0x38;
	[tilespmem:$0x1E800] =	vst v63  }
0x32: {  	_ =	swait.ge [sflag:s21], $0x4000  }
0x33: {  	[sflag:s21] =	ssyncset.done $0x0  }
0x34: {  	[sflag:s21] =	ssyncadd.s32 $0xFFFFC000  }
0x35: {  	[spmem:s10] =	stream.linear.scatter [tilespmem:s20], [sflag:$0x6], $0x4000, $0x38;
	[tilespmem:$0x1E800] =	vst v63  }
0x36: {  	_ =	swait.ge [sflag:s21], $0x4000  }
0x37: {  	[sflag:s21] =	ssyncset.done $0x0  }
0x38: {  	[sflag:s21] =	ssyncadd.s32 $0xFFFFC000  }
0x39: {  	[spmem:s11] =	stream.linear.scatter [tilespmem:s20], [sflag:$0x6], $0x4000, $0x38;
	[tilespmem:$0x1E800] =	vst v63  }
0x3a: {  	_ =	swait.ge [sflag:s21], $0x4000  }
0x3b: {  	[sflag:s21] =	ssyncset.done $0x0  }
0x3c: {  	[sflag:s21] =	ssyncadd.s32 $0xFFFFC000  }
0x3d: {  	s14 =	simm.s32 $0x0;
	[bflag:$0x0] =	sbarrier.arrive $0xFFFF  }
0x3e: {  	[tilespmem:s14], [sflag:$0x1] =	stream.linear.gather [hbm4b:s16+s14], $0x1400, $0x38;
	[tilespmem:$0x1E800] =	vst v63  }
0x3f: {  	_ =	swait.ge [sflag:s22], $0x1400  }
0x40: {  	[sflag:s22] =	ssyncset.done $0x0  }
0x41: {  	[sflag:s22] =	ssyncadd.s32 $0xFFFFEC00  }
0x42: {  	[tilespmem:s23], [sflag:$0x1] =	stream.linear.gather [hbm4b:s17+s14], $0x1400, $0x38;
	[tilespmem:$0x1E800] =	vst v63  }
0x43: {  	_ =	swait.ge [sflag:s22], $0x1400  }
0x44: {  	[sflag:s22] =	ssyncset.done $0x0  }
0x45: {  	[sflag:s22] =	ssyncadd.s32 $0xFFFFEC00  }
0x46: {  	[tilespmem:s20], [sflag:$0x2] =	stream.indirect.gather [hbm4b:s4+s24], $0x80, s14, s24, $0xb8;
	[tilespmem:$0x1E800] =	vst v63  }
0x47: {  	_ = 	snop  }
0x48: {  	[tilespmem:s25], [sflag:$0x3] =	stream.indirect.gather [hbm4b:s4+s24], $0x80, s24, s24, $0xb8;
	[tilespmem:$0x1E800] =	vst v63  }
0x49: {  	_ = 	snop  }
0x4a: {  	[tilespmem:s28], [sflag:$0x4] =	stream.indirect.gather [hbm4b:s4+s24], $0x80, s26, s24, $0xb8;
	[tilespmem:$0x1E800] =	vst v63  }
0x4b: {  	_ = 	snop  }
0x4c: {  	[tilespmem:s30], [sflag:$0x5] =	stream.indirect.gather [hbm4b:s4+s24], $0x80, s29, s24, $0xb8;
	[tilespmem:$0x1E800] =	vst v63  }
0x4d: {  	_ =	swait.ge [sflag:s31], $0x2000  }
0x4e: {  	[sflag:s31] =	ssyncset.done $0x0  }
0x4f: {  	[sflag:s31] =	ssyncadd.s32 $0xFFFFE000  }
0x50: {  	_ =	swait.ge [sflag:s0], $0x2000  }
0x51: {  	[sflag:s0] =	ssyncset.done $0x0  }
0x52: {  	s15 =	simm.s32 $0x1400;
	[sflag:s0] =	ssyncadd.s32 $0xFFFFE000  }
0x53: {  	[spmem:s2] =	stream.indirect.scatter.add.f32 [tilespmem:s20], [sflag:$0x6], $0x80, s15, s26, $0xb8;
	[tilespmem:$0x1E800] =	vst v63  }
0x54: {  	_ =	swait.ge [sflag:s21], $0x4000  }
0x55: {  	[sflag:s21] =	ssyncset.done $0x0  }
0x56: {  	s14 =	simm.s32 $0x100;
	[sflag:s21] =	ssyncadd.s32 $0xFFFFC000  }
0x57: {  	[tilespmem:s20], [sflag:$0x2] =	stream.indirect.gather [hbm4b:s4+s24], $0x80, s14, s24, $0xb8;
	[tilespmem:$0x1E800] =	vst v63  }
0x58: {  	s15 =	simm.s32 $0x140  }
0x59: {  	[tilespmem:s25], [sflag:$0x3] =	stream.indirect.gather [hbm4b:s4+s24], $0x80, s15, s24, $0xb8;
	[tilespmem:$0x1E800] =	vst v63  }
0x5a: {  	_ =	swait.ge [sflag:s1], $0x2000  }
0x5b: {  	[sflag:s1] =	ssyncset.done $0x0  }
0x5c: {  	[sflag:s1] =	ssyncadd.s32 $0xFFFFE000  }
0x5d: {  	_ =	swait.ge [sflag:s6], $0x2000  }
0x5e: {  	[sflag:s6] =	ssyncset.done $0x0  }
0x5f: {  	s14 =	simm.s32 $0x1480;
	[sflag:s6] =	ssyncadd.s32 $0xFFFFE000  }
0x60: {  	[spmem:s2] =	stream.indirect.scatter.add.f32 [tilespmem:s28], [sflag:$0x6], $0x80, s14, s26, $0xb8;
	[tilespmem:$0x1E800] =	vst v63  }
0x61: {  	_ =	swait.ge [sflag:s21], $0x4000  }
0x62: {  	s13 =	simm.s32 $0x400;
	[sflag:s21] =	ssyncset.done $0x0  }
0x63: {  	s15 =	simm.s32 $0x180;
	s14 =	simm.s32 $0x1C0;
	[sflag:s21] =	ssyncadd.s32 $0xFFFFC000  }
0x64: {  	[tilespmem:s28], [sflag:$0x4] =	stream.indirect.gather [hbm4b:s4+s24], $0x80, s15, s24, $0xb8;
	[tilespmem:$0x1E800] =	vst v63  }
.LBB2_4:
0x65: {  	[tilespmem:s30], [sflag:$0x5] =	stream.indirect.gather [hbm4b:s4+s24], $0x80, s14, s24, $0xb8;
	[tilespmem:$0x1E800] =	vst v63  }
0x66: {  	s14 =	smov.u32 s13  }
0x67: {  	p0 =	sne.s32 s13, $0x4800;
	s13 =	sadd.s32 $0x400, s13;
	_ =	swait.ge [sflag:s31], $0x2000  }
0x68: {  	[sflag:s31] =	ssyncset.done $0x0  }
0x69: {  	[sflag:s31] =	ssyncadd.s32 $0xFFFFE000  }
0x6a: {  	_ =	swait.ge [sflag:s0], $0x2000  }
0x6b: {  	s14 =	sshra.s32 s14, $0x2;
	[sflag:s0] =	ssyncset.done $0x0  }
0x6c: {  	s15 =	sadd.s32 $0x1400, s14;
	[sflag:s0] =	ssyncadd.s32 $0xFFFFE000  }
0x6d: {  	[spmem:s2] =	stream.indirect.scatter.add.f32 [tilespmem:s20], [sflag:$0x6], $0x80, s15, s26, $0xb8;
	[tilespmem:$0x1E800] =	vst v63  }
0x6e: {  	_ =	swait.ge [sflag:s21], $0x4000  }
0x6f: {  	[sflag:s21] =	ssyncset.done $0x0  }
0x70: {  	s15 =	sadd.s32 $0x100, s14;
	[sflag:s21] =	ssyncadd.s32 $0xFFFFC000  }
0x71: {  	[tilespmem:s20], [sflag:$0x2] =	stream.indirect.gather [hbm4b:s4+s24], $0x80, s15, s24, $0xb8;
	[tilespmem:$0x1E800] =	vst v63  }
0x72: {  	s15 =	sadd.s32 $0x140, s14  }
0x73: {  	[tilespmem:s25], [sflag:$0x3] =	stream.indirect.gather [hbm4b:s4+s24], $0x80, s15, s24, $0xb8;
	[tilespmem:$0x1E800] =	vst v63  }
0x74: {  	_ =	swait.ge [sflag:s1], $0x2000  }
0x75: {  	[sflag:s1] =	ssyncset.done $0x0  }
0x76: {  	[sflag:s1] =	ssyncadd.s32 $0xFFFFE000  }
0x77: {  	_ =	swait.ge [sflag:s6], $0x2000  }
0x78: {  	[sflag:s6] =	ssyncset.done $0x0  }
0x79: {  	s15 =	sadd.s32 $0x1480, s14;
	[sflag:s6] =	ssyncadd.s32 $0xFFFFE000  }
0x7a: {  	[spmem:s2] =	stream.indirect.scatter.add.f32 [tilespmem:s28], [sflag:$0x6], $0x80, s15, s26, $0xb8;
	[tilespmem:$0x1E800] =	vst v63  }
.Ltmp1:
0x7b: {  	_ =	swait.ge [sflag:s21], $0x4000;
	(pc) =	sbr.rel @p0 .LBB2_4-.Ltmp1, $4  }
0x7c: {  	[sflag:s21] =	ssyncset.done $0x0  }
0x7d: {  	s15 =	sadd.s32 $0x180, s14;
	[sflag:s21] =	ssyncadd.s32 $0xFFFFC000  }
0x7e: {  	[tilespmem:s28], [sflag:$0x4] =	stream.indirect.gather [hbm4b:s4+s24], $0x80, s15, s24, $0xb8;
	[tilespmem:$0x1E800] =	vst v63  }
0x7f: {  	s14 =	sadd.s32 $0x1C0, s14  }
0x80: {  	[tilespmem:s30], [sflag:$0x5] =	stream.indirect.gather [hbm4b:s4+s24], $0x80, s14, s24, $0xb8;
	[tilespmem:$0x1E800] =	vst v63  }
0x81: {  	_ =	swait.ge [sflag:s31], $0x2000  }
0x82: {  	[sflag:s31] =	ssyncset.done $0x0  }
0x83: {  	[sflag:s31] =	ssyncadd.s32 $0xFFFFE000  }
0x84: {  	_ =	swait.ge [sflag:s0], $0x2000  }
0x85: {  	[sflag:s0] =	ssyncset.done $0x0  }
0x86: {  	[sflag:s0] =	ssyncadd.s32 $0xFFFFE000  }
0x87: {  	[spmem:s2] =	stream.indirect.scatter.add.f32 [tilespmem:s20], [sflag:$0x6], $0x80, s7, s26, $0xb8;
	[tilespmem:$0x1E800] =	vst v63  }
0x88: {  	_ =	swait.ge [sflag:s21], $0x4000  }
0x89: {  	[sflag:s21] =	ssyncset.done $0x0  }
0x8a: {  	[sflag:s21] =	ssyncadd.s32 $0xFFFFC000  }
0x8b: {  	_ =	swait.ge [sflag:s1], $0x2000  }
0x8c: {  	[sflag:s1] =	ssyncset.done $0x0  }
0x8d: {  	[sflag:s1] =	ssyncadd.s32 $0xFFFFE000  }
0x8e: {  	_ =	swait.ge [sflag:s6], $0x2000  }
0x8f: {  	[sflag:s6] =	ssyncset.done $0x0  }
0x90: {  	[sflag:s6] =	ssyncadd.s32 $0xFFFFE000  }
0x91: {  	[spmem:s2] =	stream.indirect.scatter.add.f32 [tilespmem:s28], [sflag:$0x6], $0x80, s12, s26, $0xb8;
	[tilespmem:$0x1E800] =	vst v63  }
0x92: {  	_ =	swait.ge [sflag:s21], $0x4000  }
0x93: {  	[sflag:s21] =	ssyncset.done $0x0  }
0x94: {  	s13 =	simm.s32 $0x0;
	[sflag:s21] =	ssyncadd.s32 $0xFFFFC000  }
0x95: {  	[tilespmem:s13], [sflag:$0x1] =	stream.linear.gather [hbm4b:s18+s13], $0x1400, $0x38;
	[tilespmem:$0x1E800] =	vst v63  }
0x96: {  	_ =	swait.ge [sflag:s22], $0x1400  }
0x97: {  	[sflag:s22] =	ssyncset.done $0x0  }
0x98: {  	[sflag:s22] =	ssyncadd.s32 $0xFFFFEC00  }
0x99: {  	[tilespmem:s23], [sflag:$0x1] =	stream.linear.gather [hbm4b:s19+s13], $0x1400, $0x38;
	[tilespmem:$0x1E800] =	vst v63  }
0x9a: {  	_ =	swait.ge [sflag:s22], $0x1400  }
0x9b: {  	[sflag:s22] =	ssyncset.done $0x0  }
0x9c: {  	[sflag:s22] =	ssyncadd.s32 $0xFFFFEC00  }
0x9d: {  	[tilespmem:s20], [sflag:$0x2] =	stream.indirect.gather [hbm4b:s4+s24], $0x80, s13, s24, $0xb8;
	[tilespmem:$0x1E800] =	vst v63  }
0x9e: {  	_ = 	snop  }
0x9f: {  	[tilespmem:s25], [sflag:$0x3] =	stream.indirect.gather [hbm4b:s4+s24], $0x80, s24, s24, $0xb8;
	[tilespmem:$0x1E800] =	vst v63  }
0xa0: {  	_ = 	snop  }
0xa1: {  	[tilespmem:s28], [sflag:$0x4] =	stream.indirect.gather [hbm4b:s4+s24], $0x80, s26, s24, $0xb8;
	[tilespmem:$0x1E800] =	vst v63  }
0xa2: {  	_ = 	snop  }
0xa3: {  	[tilespmem:s30], [sflag:$0x5] =	stream.indirect.gather [hbm4b:s4+s24], $0x80, s29, s24, $0xb8;
	[tilespmem:$0x1E800] =	vst v63  }
0xa4: {  	_ =	swait.ge [sflag:s31], $0x2000  }
0xa5: {  	[sflag:s31] =	ssyncset.done $0x0  }
0xa6: {  	[sflag:s31] =	ssyncadd.s32 $0xFFFFE000  }
0xa7: {  	_ =	swait.ge [sflag:s0], $0x2000  }
0xa8: {  	[sflag:s0] =	ssyncset.done $0x0  }
0xa9: {  	s15 =	simm.s32 $0x1400;
	[sflag:s0] =	ssyncadd.s32 $0xFFFFE000  }
0xaa: {  	[spmem:s2] =	stream.indirect.scatter.add.f32 [tilespmem:s20], [sflag:$0x6], $0x80, s15, s26, $0xb8;
	[tilespmem:$0x1E800] =	vst v63  }
0xab: {  	_ =	swait.ge [sflag:s21], $0x4000  }
0xac: {  	[sflag:s21] =	ssyncset.done $0x0  }
0xad: {  	s14 =	simm.s32 $0x100;
	[sflag:s21] =	ssyncadd.s32 $0xFFFFC000  }
0xae: {  	[tilespmem:s20], [sflag:$0x2] =	stream.indirect.gather [hbm4b:s4+s24], $0x80, s14, s24, $0xb8;
	[tilespmem:$0x1E800] =	vst v63  }
0xaf: {  	s15 =	simm.s32 $0x140  }
0xb0: {  	[tilespmem:s25], [sflag:$0x3] =	stream.indirect.gather [hbm4b:s4+s24], $0x80, s15, s24, $0xb8;
	[tilespmem:$0x1E800] =	vst v63  }
0xb1: {  	_ =	swait.ge [sflag:s1], $0x2000  }
0xb2: {  	[sflag:s1] =	ssyncset.done $0x0  }
0xb3: {  	[sflag:s1] =	ssyncadd.s32 $0xFFFFE000  }
0xb4: {  	_ =	swait.ge [sflag:s6], $0x2000  }
0xb5: {  	[sflag:s6] =	ssyncset.done $0x0  }
0xb6: {  	s14 =	simm.s32 $0x1480;
	[sflag:s6] =	ssyncadd.s32 $0xFFFFE000  }
0xb7: {  	[spmem:s2] =	stream.indirect.scatter.add.f32 [tilespmem:s28], [sflag:$0x6], $0x80, s14, s26, $0xb8;
	[tilespmem:$0x1E800] =	vst v63  }
0xb8: {  	_ =	swait.ge [sflag:s21], $0x4000  }
0xb9: {  	s13 =	simm.s32 $0x400;
	[sflag:s21] =	ssyncset.done $0x0  }
0xba: {  	s15 =	simm.s32 $0x180;
	s14 =	simm.s32 $0x1C0;
	[sflag:s21] =	ssyncadd.s32 $0xFFFFC000  }
0xbb: {  	[tilespmem:s28], [sflag:$0x4] =	stream.indirect.gather [hbm4b:s4+s24], $0x80, s15, s24, $0xb8;
	[tilespmem:$0x1E800] =	vst v63  }
.LBB2_6:
0xbc: {  	[tilespmem:s30], [sflag:$0x5] =	stream.indirect.gather [hbm4b:s4+s24], $0x80, s14, s24, $0xb8;
	[tilespmem:$0x1E800] =	vst v63  }
0xbd: {  	s14 =	smov.u32 s13  }
0xbe: {  	p0 =	sne.s32 s13, $0x4800;
	s13 =	sadd.s32 $0x400, s13;
	_ =	swait.ge [sflag:s31], $0x2000  }
0xbf: {  	[sflag:s31] =	ssyncset.done $0x0  }
0xc0: {  	[sflag:s31] =	ssyncadd.s32 $0xFFFFE000  }
0xc1: {  	_ =	swait.ge [sflag:s0], $0x2000  }
0xc2: {  	s14 =	sshra.s32 s14, $0x2;
	[sflag:s0] =	ssyncset.done $0x0  }
0xc3: {  	s15 =	sadd.s32 $0x1400, s14;
	[sflag:s0] =	ssyncadd.s32 $0xFFFFE000  }
0xc4: {  	[spmem:s2] =	stream.indirect.scatter.add.f32 [tilespmem:s20], [sflag:$0x6], $0x80, s15, s26, $0xb8;
	[tilespmem:$0x1E800] =	vst v63  }
0xc5: {  	_ =	swait.ge [sflag:s21], $0x4000  }
0xc6: {  	[sflag:s21] =	ssyncset.done $0x0  }
0xc7: {  	s15 =	sadd.s32 $0x100, s14;
	[sflag:s21] =	ssyncadd.s32 $0xFFFFC000  }
0xc8: {  	[tilespmem:s20], [sflag:$0x2] =	stream.indirect.gather [hbm4b:s4+s24], $0x80, s15, s24, $0xb8;
	[tilespmem:$0x1E800] =	vst v63  }
0xc9: {  	s15 =	sadd.s32 $0x140, s14  }
0xca: {  	[tilespmem:s25], [sflag:$0x3] =	stream.indirect.gather [hbm4b:s4+s24], $0x80, s15, s24, $0xb8;
	[tilespmem:$0x1E800] =	vst v63  }
0xcb: {  	_ =	swait.ge [sflag:s1], $0x2000  }
0xcc: {  	[sflag:s1] =	ssyncset.done $0x0  }
0xcd: {  	[sflag:s1] =	ssyncadd.s32 $0xFFFFE000  }
0xce: {  	_ =	swait.ge [sflag:s6], $0x2000  }
0xcf: {  	[sflag:s6] =	ssyncset.done $0x0  }
0xd0: {  	s15 =	sadd.s32 $0x1480, s14;
	[sflag:s6] =	ssyncadd.s32 $0xFFFFE000  }
0xd1: {  	[spmem:s2] =	stream.indirect.scatter.add.f32 [tilespmem:s28], [sflag:$0x6], $0x80, s15, s26, $0xb8;
	[tilespmem:$0x1E800] =	vst v63  }
.Ltmp2:
0xd2: {  	_ =	swait.ge [sflag:s21], $0x4000;
	(pc) =	sbr.rel @p0 .LBB2_6-.Ltmp2, $4  }
0xd3: {  	[sflag:s21] =	ssyncset.done $0x0  }
0xd4: {  	s15 =	sadd.s32 $0x180, s14;
	[sflag:s21] =	ssyncadd.s32 $0xFFFFC000  }
0xd5: {  	[tilespmem:s28], [sflag:$0x4] =	stream.indirect.gather [hbm4b:s4+s24], $0x80, s15, s24, $0xb8;
	[tilespmem:$0x1E800] =	vst v63  }
0xd6: {  	s14 =	sadd.s32 $0x1C0, s14  }
0xd7: {  	[tilespmem:s30], [sflag:$0x5] =	stream.indirect.gather [hbm4b:s4+s24], $0x80, s14, s24, $0xb8;
	[tilespmem:$0x1E800] =	vst v63  }
0xd8: {  	_ =	swait.ge [sflag:s31], $0x2000  }
0xd9: {  	[sflag:s31] =	ssyncset.done $0x0  }
0xda: {  	[sflag:s31] =	ssyncadd.s32 $0xFFFFE000  }
0xdb: {  	_ =	swait.ge [sflag:s0], $0x2000  }
0xdc: {  	[sflag:s0] =	ssyncset.done $0x0  }
0xdd: {  	[sflag:s0] =	ssyncadd.s32 $0xFFFFE000  }
0xde: {  	[spmem:s2] =	stream.indirect.scatter.add.f32 [tilespmem:s20], [sflag:$0x6], $0x80, s7, s26, $0xb8;
	[tilespmem:$0x1E800] =	vst v63  }
0xdf: {  	_ =	swait.ge [sflag:s21], $0x4000  }
0xe0: {  	[sflag:s21] =	ssyncset.done $0x0  }
0xe1: {  	[sflag:s21] =	ssyncadd.s32 $0xFFFFC000  }
0xe2: {  	_ =	swait.ge [sflag:s1], $0x2000  }
0xe3: {  	[sflag:s1] =	ssyncset.done $0x0  }
0xe4: {  	[sflag:s1] =	ssyncadd.s32 $0xFFFFE000  }
0xe5: {  	_ =	swait.ge [sflag:s6], $0x2000  }
0xe6: {  	[sflag:s6] =	ssyncset.done $0x0  }
0xe7: {  	[sflag:s6] =	ssyncadd.s32 $0xFFFFE000  }
0xe8: {  	[spmem:s2] =	stream.indirect.scatter.add.f32 [tilespmem:s28], [sflag:$0x6], $0x80, s12, s26, $0xb8;
	[tilespmem:$0x1E800] =	vst v63  }
0xe9: {  	_ =	swait.ge [sflag:s21], $0x4000  }
0xea: {  	[sflag:s21] =	ssyncset.done $0x0  }
0xeb: {  	s13 =	stileid.u32;
	[sflag:s21] =	ssyncadd.s32 $0xFFFFC000  }
0xec: {  	s13 =	sshll.u32 s13, $0x6;
	[bflag:$0x0] =	sbarrier.arrive $0xFFFF  }
0xed: {  	s14 =	sshrl.u32 s5, $0x3;
	s13 =	sor.u32 $0x1C06, s13;
	s15 =	rddreg [dreg:$0x4]  }
0xee: {  	[hbm:s15], [sflag:s13] =	dma.local [spmem:s14], $0x800  }
0xef: {  	_ =	swait.ge [sflag:s21], $0x800  }
0xf0: {  	[sflag:s21] =	ssyncset.done $0x0  }
0xf1: {  	s14 =	sshrl.u32 s8, $0x3;
	s15 =	rddreg [dreg:$0x6];
	[sflag:s21] =	ssyncadd.s32 $0xFFFFF800  }
0xf2: {  	[hbm:s15], [sflag:s13] =	dma.local [spmem:s14], $0x800  }
0xf3: {  	_ =	swait.ge [sflag:s21], $0x800  }
0xf4: {  	[sflag:s21] =	ssyncset.done $0x0  }
0xf5: {  	s14 =	sshrl.u32 s9, $0x3;
	s15 =	rddreg [dreg:$0x7];
	[sflag:s21] =	ssyncadd.s32 $0xFFFFF800  }
0xf6: {  	[hbm:s15], [sflag:s13] =	dma.local [spmem:s14], $0x800  }
0xf7: {  	_ =	swait.ge [sflag:s21], $0x800  }
0xf8: {  	[sflag:s21] =	ssyncset.done $0x0  }
0xf9: {  	s14 =	sshrl.u32 s10, $0x3;
	s15 =	rddreg [dreg:$0x8];
	[sflag:s21] =	ssyncadd.s32 $0xFFFFF800  }
0xfa: {  	[hbm:s15], [sflag:s13] =	dma.local [spmem:s14], $0x800  }
0xfb: {  	_ =	swait.ge [sflag:s21], $0x800  }
0xfc: {  	[sflag:s21] =	ssyncset.done $0x0  }
0xfd: {  	s14 =	sshrl.u32 s11, $0x3;
	s15 =	rddreg [dreg:$0x9];
	[sflag:s21] =	ssyncadd.s32 $0xFFFFF800  }
0xfe: {  	[hbm:s15], [sflag:s13] =	dma.local [spmem:s14], $0x800  }
0xff: {  	_ =	swait.ge [sflag:s21], $0x800  }
0x100: {  	s3 =	sadd.s32 $0x1, s3;
	s15 =	rddreg [dreg:$0x5]  }
0x101: {  	p0 =	sne.s32 s3, s15  }
.Ltmp3:
0x102: {  	_ = 	snop;
	(pc) =	sbr.rel @p0 .LBB2_1-.Ltmp3, $3  }
0x103: {  	_ =	sdelay $0x1  }
0x104: {  	[sflag:s21] =	ssyncset.done $0x0  }
0x105: {  	[sflag:s21] =	ssyncadd.s32 $0xFFFFF800  }
0x106: {  	_ =	sfence.sel $0x180000  }
0x107: {  	[bflag:$0x0] =	sbarrier.arrive $0xFFFF  }
0x108: {  	_ =	strace $0x9000004D  }
0x109: {  	s0 =	stileid.u32;
	[bflag:$0x2] =	sbarrier.arrive $0xFFFF  }
0x10a: {  	p0 =	sne.s32 s0, $0x0;
	s0 =	rddreg [dreg:$0x3]  }
0x10b: {  	s0 =	sadd.s32 @!p0 $0x100000, s0  }
0x10c: {  	[sflag:s0] =	ssyncadd.tile.s32 @!p0 $0x1;
	_ =	shalt  }
.Lfunc_end2:
_tile_overlayer_lowered:
.L_overlay_start_2:
0x10d: {  	(tag) =	ssettag $0x2  }
0x10e: {  	s0 =	rddreg [dreg:$0x0];
	s2 =	stileid.u32  }
0x10f: {  	s1 =	rddreg [dreg:$0x1];
	p0 =	sne.s32 s2, $0x0  }
0x110: {  	s3 =	rddreg [dreg:$0x2];
	[bflag:$0x3] =	sbarrier.arrive $0xFFFF;
	s2 =	simm.s32 @!p0 $0x1C06  }
0x111: {  	[timem:s3], [sflag:s2] =	dma.local @!p0 [hbm:s0], s1  }
0x112: {  	s0 =	simm.s32 @!p0 $0x6  }
0x113: {  	_ =	swait.ge @!p0 [sflag:s0], s1  }
0x114: {  	s1 =	ssub.s32 @!p0 $0x0, s1;
	[sflag:s0] =	ssyncset.done @!p0 $0x0  }
0x115: {  	[sflag:s0] =	ssyncadd.s32 @!p0 s1  }
0x116: {  	[bflag:$0x3] =	sbarrier.arrive $0xFFFF  }
0x117: {  	_ =	shalt  }

// kernel: kernel.8.cloned.1.call-start
scs
__scs_entry_jumppad:
0x0: {  	(pc) =	sbr.rel $0x88, $3  }
0x1: {  	(tag) =	ssettag $0x0;
	lr =	simm.s32 $0x1  }
0x2: {  	[smem:$0x3F9B] =	sst lr;
	_ =	strace $0xD0000000  }
0x3: {  	_ = 	snop  }
0x4: {  	_ = 	snop  }
0x5: {  	_ = 	snop  }
0x6: {  	_ = 	snop  }
0x7: {  	_ = 	snop  }
__scs_overlays_trampoline_lowered:
0x8: {  	[smem:$0x3FAA] =	sst s0  }
0x9: {  	[smem:$0x3FAB] =	sst s1  }
0xa: {  	[smem:$0x3FAC] =	sst s2  }
0xb: {  	[smem:$0x3FAD] =	sst s3  }
0xc: {  	[smem:$0x3FAE] =	sst s4  }
0xd: {  	[smem:$0x3FAF] =	sst s5  }
0xe: {  	[smem:$0x3FB0] =	sst s6  }
0xf: {  	[smem:$0x3FB1] =	sst s7  }
0x10: {  	[smem:$0x3FB2] =	sst s8  }
0x11: {  	[smem:$0x3FB3] =	sst s9;
	s0 =	simm.s32 @!p0 $0x0  }
0x12: {  	s1 =	sld [smem:$0x3F99];
	s0 =	simm.s32 @p0 $0x1  }
0x13: {  	[smem:$0x3FB4] =	sst s0;
	s0 =	simm.s32 @!p1 $0x0  }
0x14: {  	s2 =	sld [smem:$0x3F98];
	s0 =	simm.s32 @p1 $0x1  }
0x15: {  	[smem:$0x3FB5] =	sst s0;
	s0 =	simm.s32 @!p2 $0x0  }
0x16: {  	s3 =	sld [smem:$0x3FDB];
	s0 =	simm.s32 @p2 $0x1  }
0x17: {  	s4 =	simm.s32 $0x1BF5;
	[smem:$0x3FB7] =	sst s0  }
0x18: {  	s0 =	sld [smem:$0x3F9A];
	_ =	swait.ge [sflag:s4], $0x0  }
0x19: {  	s7 =	sld [smem:$0x3F9B]  }
0x1a: {  	s8 =	sadd.s32 $0xFFFFE003, lr  }
0x1b: {  	s9 =	sadd.s32 $0xFFFFFEF7, lr;
	s5 =	simm.s32 $0xFFFFFFFF;
	p2 =	slt.u32 s8, $0xFFFFF086  }
0x1c: {  	p1 =	slt.u32 s9, $0xF7A;
	s5 =	simm.s32 @!p2 $0x0  }
0x1d: {  	s5 =	simm.s32 @p1 $0x1;
	p0 =	seq.s32 s7, s2  }
0x1e: {  	s7 =	smul.u32 @!p0 $0xF7A, s2;
	p2 =	seq.s32 @!p0 s5, $0x0  }
0x1f: {  	s9 =	smul.u32 $0xF7A, s1;
	s8 =	simm.s32 @!p0 $0x1BF5;
	p2 =	por !p2, p0  }
0x20: {  	[sflag:s8] =	ssyncset.s32 @!p0 $0xFFFFF086;
	s6 =	sadd.s32 @!p0 s3, s7;
	s7 =	simm.s32 @!p0 $0x108  }
0x21: {  	s3 =	sadd.s32 s3, s9;
	s6 =	sadd.s32 @!p0 $0x88, s6;
	s7 =	simm.s32 @p2 $0x1082  }
0x22: {  	[simem:s7], [sflag:s8] =	dma.local @!p0 [hbm:s6], $0xF7A  }
0x23: {  	s9 =	sor.u32 $0xD0000000, s2;
	s6 =	simm.s32 $0x108;
	_ =	swait.ge @!p0 [sflag:s8], $0x0  }
0x24: {  	s3 =	sadd.s32 $0x88, s3;
	s6 =	simm.s32 @!p1 $0x1082;
	[sflag:s4] =	ssyncset.s32 $0xFFFFF086  }
0x25: {  	[simem:s6], [sflag:s4] =	dma.local [hbm:s3], $0xF7A  }
0x26: {  	[smem:$0x3F9B] =	sst s1;
	(tag) =	ssettag s2;
	_ =	strace s9  }
0x27: {  	s1 =	sld [smem:$0x3FAB]  }
0x28: {  	s2 =	sld [smem:$0x3FAC]  }
0x29: {  	s4 =	sld [smem:$0x3FAE]  }
0x2a: {  	p0 =	seq.s32 s5, $0x0;
	s5 =	sld [smem:$0x3FAF]  }
0x2b: {  	s6 =	sld [smem:$0x3FB0]  }
0x2c: {  	s7 =	sld [smem:$0x3FB1]  }
0x2d: {  	s3 =	simm.s32 $0x108;
	s8 =	sld [smem:$0x3FB2]  }
0x2e: {  	s3 =	simm.s32 @!p0 $0x1082;
	s9 =	sld [smem:$0x3FB3]  }
0x2f: {  	lr =	sadd.s32 s0, s3;
	s0 =	sld [smem:$0x3FAA]  }
0x30: {  	s3 =	sld [smem:$0x3FAD]  }
0x31: {  	[smem:$0x3FB6] =	sst s10  }
0x32: {  	s10 =	sld [smem:$0x3FB4];
	_ =	sdelay $0x3  }
0x33: {  	p0 =	seq.s32 s10, $0x1;
	s10 =	sld [smem:$0x3FB6];
	_ =	sdelay $0x3  }
0x34: {  	[smem:$0x3FB6] =	sst s10  }
0x35: {  	s10 =	sld [smem:$0x3FB5];
	_ =	sdelay $0x3  }
0x36: {  	p1 =	seq.s32 s10, $0x1;
	s10 =	sld [smem:$0x3FB6];
	_ =	sdelay $0x3  }
0x37: {  	[smem:$0x3FB6] =	sst s10  }
0x38: {  	s10 =	sld [smem:$0x3FB7]  }
0x39: {  	_ = 	snop;
	(pc) =	sbr.ind lr, $3  }
0x3a: {  	_ = 	snop  }
0x3b: {  	_ = 	snop  }
0x3c: {  	p2 =	seq.s32 s10, $0x1;
	s10 =	sld [smem:$0x3FB6]  }
0x3d: {  	_ =	shalt  }
0x3e: {  	_ =	shalt  }
0x3f: {  	_ =	shalt  }
0x40: {  	_ =	shalt  }
0x41: {  	_ =	shalt  }
0x42: {  	_ =	shalt  }
0x43: {  	_ =	shalt  }
0x44: {  	_ =	shalt  }
0x45: {  	_ =	shalt  }
0x46: {  	_ =	shalt  }
0x47: {  	_ =	shalt  }
0x48: {  	_ =	shalt  }
0x49: {  	_ =	shalt  }
0x4a: {  	_ =	shalt  }
0x4b: {  	_ =	shalt  }
0x4c: {  	_ =	shalt  }
0x4d: {  	_ =	shalt  }
0x4e: {  	_ =	shalt  }
0x4f: {  	_ =	shalt  }
0x50: {  	_ =	shalt  }
0x51: {  	_ =	shalt  }
0x52: {  	_ =	shalt  }
0x53: {  	_ =	shalt  }
0x54: {  	_ =	shalt  }
0x55: {  	_ =	shalt  }
0x56: {  	_ =	shalt  }
0x57: {  	_ =	shalt  }
0x58: {  	_ =	shalt  }
0x59: {  	_ =	shalt  }
0x5a: {  	_ =	shalt  }
0x5b: {  	_ =	shalt  }
0x5c: {  	_ =	shalt  }
0x5d: {  	_ =	shalt  }
0x5e: {  	_ =	shalt  }
0x5f: {  	_ =	shalt  }
0x60: {  	_ =	shalt  }
0x61: {  	_ =	shalt  }
0x62: {  	_ =	shalt  }
0x63: {  	_ =	shalt  }
0x64: {  	_ =	shalt  }
0x65: {  	_ =	shalt  }
0x66: {  	_ =	shalt  }
0x67: {  	_ =	shalt  }
0x68: {  	_ =	shalt  }
0x69: {  	_ =	shalt  }
0x6a: {  	_ =	shalt  }
0x6b: {  	_ =	shalt  }
0x6c: {  	_ =	shalt  }
0x6d: {  	_ =	shalt  }
0x6e: {  	_ =	shalt  }
0x6f: {  	_ =	shalt  }
0x70: {  	_ =	shalt  }
0x71: {  	_ =	shalt  }
0x72: {  	_ =	shalt  }
0x73: {  	_ =	shalt  }
0x74: {  	_ =	shalt  }
0x75: {  	_ =	shalt  }
0x76: {  	_ =	shalt  }
0x77: {  	_ =	shalt  }
0x78: {  	_ =	shalt  }
0x79: {  	_ =	shalt  }
0x7a: {  	_ =	shalt  }
0x7b: {  	_ =	shalt  }
0x7c: {  	_ =	shalt  }
0x7d: {  	_ =	shalt  }
0x7e: {  	_ =	shalt  }
0x7f: {  	_ =	shalt  }
0x80: {  	_ =	shalt  }
0x81: {  	_ =	shalt  }
0x82: {  	_ =	shalt  }
0x83: {  	_ =	shalt  }
0x84: {  	_ =	shalt  }
0x85: {  	_ =	shalt  }
0x86: {  	_ =	shalt  }
0x87: {  	_ =	shalt  }
.Lfunc_end0:
.L_simem_size_0:
called_computation_lowered:
.L_overlay_start_0:
0x88: {  	s2 =	sld [smem:$0x3FD9]  }
0x89: {  	s3 =	sld [smem:$0x3FFE];
	_ =	sdelay $0x1  }
0x8a: {  	s1 =	srdreg.scid  }
0x8b: {  	s0 =	sand.u32 $0x1, s1  }
0x8c: {  	s17 =	sshll.u32 s0, $0xA;
	s2 =	sadd.s32 s3, s2  }
0x8d: {  	s2 =	sadd.s32 s2, s17  }
0x8e: {  	[smem:$0x3FC2] =	sst s2  }
0x8f: {  	_ = 	snop  }
0x90: {  	s2 =	sld [smem:$0x3FD0];
	(tm) =	ssettm $0x1  }
0x91: {  	s18 =	sld [smem:$0x3FFB];
	_ =	sdelay $0x3  }
0x92: {  	_ =	strace s18  }
0x93: {  	s3 =	sld [smem:$0x3FFC];
	_ =	sdelay $0x3  }
0x94: {  	_ =	strace s3  }
0x95: {  	s3 =	sld [smem:$0x3FFD];
	_ =	sdelay $0x3  }
0x96: {  	_ =	strace s3  }
0x97: {  	_ =	strace $0x8FFFFFFF  }
0x98: {  	s19 =	sld [smem:$0x3FDB];
	_ =	sdelay $0x1  }
0x99: {  	s4 =	simm.s32 $_scs_section_size  }
0x9a: {  	s5 =	simm.s32 $_size__tile_overlayer_lowered;
	s6 =	simm.s32 $_tile_overlayer_lowered  }
0x9b: {  	s22 =	simm.s32 $0x1BFF;
	s21 =	sshll.u32 s6, $0x1;
	s3 =	sadd.s32 s4, s19  }
0x9c: {  	s7 =	simm.s32 $0x0;
	s20 =	sshll.u32 s5, $0x1;
	s5 =	sadd.s32 s21, s3  }
0x9d: {  	[timem:s7], [sflag:s22] =	dma.local [hbm:s5], s20  }
0x9e: {  	_ =	swait.ge [sflag:s22], s20  }
0x9f: {  	s4 =	ssub.s32 $0x0, s20;
	[sflag:s22] =	ssyncset.done $0x0  }
0xa0: {  	[sflag:s22] =	ssyncadd.s32 s4;
	_ =	sdelay $0x1  }
0xa1: {  	s23 =	simm.s32 $0x1B8B  }
0xa2: {  	_ =	swait.ge [sflag:s23], $0x1  }
0xa3: {  	[sflag:s23] =	ssyncset.done $0x0  }
0xa4: {  	s25 =	simm.s32 $0x1B8E;
	s24 =	sld [smem:$0x3FFE];
	[sflag:s23] =	ssyncadd.s32 $0xFFFFFFFF  }
0xa5: {  	s26 =	simm.s32 $execute0_lowered;
	[smem:$0x3FD2] =	sst s25  }
0xa6: {  	s5 =	sshll.u32 s26, $0x1;
	_ =	strace $0x80000046;
	[dreg:$0x1] =	wrdreg $0xFFFFFFFF  }
0xa7: {  	s28 =	simm.s32 $_size_execute0_lowered;
	s3 =	sadd.s32 s3, s5;
	[dreg:$0x0] =	wrdreg $0x0  }
0xa8: {  	s5 =	sshll.u32 s28, $0x1;
	[dreg:$0x2] =	wrdreg s3  }
0xa9: {  	[dreg:$0x3] =	wrdreg s5  }
0xaa: {  	[dreg:$0x4] =	wrdreg $0xC0  }
0xab: {  	_ =	task [dreg:s7], $0x5FFFF  }
0xac: {  	[dreg:$0x1] =	wrdreg $0xFFFFFFFF  }
0xad: {  	[dreg:$0x0] =	wrdreg $0x60  }
0xae: {  	[dreg:$0x2] =	wrdreg s2  }
0xaf: {  	[dreg:$0x3] =	wrdreg s24  }
0xb0: {  	[dreg:$0x4] =	wrdreg $0xA8000  }
0xb1: {  	[dreg:$0x5] =	wrdreg $0x9  }
0xb2: {  	_ =	task.clear_ibuf [dreg:s7], $0x6FFFF;
	_ =	strace $0x90000046  }
0xb3: {  	s29 =	simm.s32 $0x9;
	_ =	strace $0x80000048  }
0xb4: {  	_ =	swait.ge [sflag:s29], $0x1  }
0xb5: {  	[sflag:s29] =	ssyncadd.s32 $0xFFFFFFFF  }
0xb6: {  	_ =	strace $0x90000048  }
0xb7: {  	_ =	sfence  }
0xb8: {  	s30 =	sld [smem:$0x0];
	_ =	sdelay $0x2  }
0xb9: {  	s31 =	sshll.u32 s1, $0xD;
	s1 =	sshrl.u32 s1, $0x2  }
0xba: {  	s3 =	sand.u32 $0x4000, s31;
	s1 =	sadd.s32 s1, s30  }
0xbb: {  	s0 =	sor.u32 s3, s0;
	s1 =	sshll.u32 s1, $0x11  }
0xbc: {  	s0 =	sor.u32 s1, s0  }
0xbd: {  	s0 =	sadd.s32 $0x8F2B, s0  }
0xbe: {  	[sflag:s0] =	ssyncadd.remote.s32 $0x1  }
0xbf: {  	_ =	sfence.sel $0xFFFF  }
0xc0: {  	[dreg:$0x0] =	wrdreg $0xFFFFFFFF;
	(pc) =	sbr.abs _section_cstart, $3  }
0xc1: {  	[dreg:$0x1] =	wrdreg $0xFFFFFFFF  }
0xc2: {  	_ =	task.clear_ibuf [dreg:s7], $0x2FFFF;
	_ =	strace $0x9FFFFFFF  }
0xc3: {  	(tm) =	ssettm $0x7FFFFFFF  }
tec
execute0_lowered:
.L_overlay_start_1:
0x0: {  	(tag) =	ssettag $0x1  }
0x1: {  	s5 =	rddreg [dreg:$0x0]  }
0x2: {  	s4 =	rddreg [dreg:$0x1]  }
0x3: {  	s2 =	rddreg [dreg:$0x2]  }
0x4: {  	s0 =	rddreg [dreg:$0x3]  }
0x5: {  	s6 =	srdreg.scid;
	s1 =	stileid.u32;
	s3 =	simm.s32 $0x0  }
0x6: {  	s16 =	simm.s32 $0x6800;
	s17 =	simm.s32 $0x2;
	s18 =	simm.s32 $0x1  }
0x7: {  	s19 =	simm.s32 $0x80;
	s6 =	sand.u32 $0x1, s6;
	s7 =	smul.u32 $0x280, s1  }
0x8: {  	s20 =	simm.s32 $0x2800;
	[smem:$0x7FF] =	sst s3;
	s8 =	smul.u32 $0x2800, s6  }
0x9: {  	s28 =	smul.u32 $0x50000, s1;
	_ =	strace $0x80000047;
	s9 =	sshll.u32 s6, $0x4  }
0xa: {  	s6 =	ssub.s32 $0x2, s6;
	s26 =	sor.u32 s1, s9;
	s7 =	sadd.s32 s8, s7  }
0xb: {  	s29 =	sshrl.u32 s6, $0x1;
	s8 =	smul.u32 $0x500, s26;
	s7 =	sshll.u32 s7, $0x4  }
0xc: {  	s30 =	sshrl.u32 s28, $0x2;
	s31 =	ssub.s32 s6, s29;
	s15 =	sadd.s32 s7, s4  }
0xd: {  	s4 =	sadd.s32 s30, s2;
	s5 =	sadd.s32 s5, s8;
	s7 =	smax.u32 s31, $0x1  }
0xe: {  	s6 =	sadd.s32 $0xC600, s15;
	s8 =	sadd.s32 $0x4000, s4;
	s9 =	sadd.s32 $0x8000, s4  }
0xf: {  	s10 =	sadd.s32 $0xC000, s4;
	s11 =	sadd.s32 $0x10000, s4;
	s12 =	sadd.s32 $0xCE00, s15  }
0x10: {  	v0 =	vimm.f32 $0.0e+00;
	v1 =	vimm.f32 $1.000000000e+00;
	s13 =	sadd.s32 $0xD600, s15;
	s14 =	sadd.s32 $0xDE00, s15;
	s15 =	sadd.s32 $0xE600, s15  }
.LBB2_1:
0x11: {  	s21 =	simm.s32 $0x0  }
.LBB2_2:
0x12: {  	p0 =	sne.s32 s21, $0xFE00  }
.Ltmp0:
0x13: {  	_ = 	snop;
	(pc) =	sbr.rel @p0 .LBB2_2-.Ltmp0, $3  }
0x14: {  	_ =	sdelay $0x1  }
0x15: {  	s22 =	sshra.s32 s21, $0x2  }
0x16: {  	s21 =	sadd.s32 $0x200, s21;
	[tilespmem:s22+$0x6800] =	vst v0  }
0x17: {  	s21 =	simm.s32 $0x200;
	s22 =	simm.s32 $0x0  }
.LBB2_4:
0x18: {  	p0 =	sne.s32 s21, $0xFE00;
	[tilespmem:s22+$0x2800] =	vst v1;
	s22 =	smov.u32 s21;
	s21 =	sadd.s32 $0x200, s21  }
.Ltmp1:
0x19: {  	(pc) =	sbr.rel @p0 .LBB2_4-.Ltmp1, $2  }
0x1a: {  	_ =	sdelay $0x2  }
0x1b: {  	s22 =	sshra.s32 s22, $0x2  }
0x1c: {  	[tilespmem:s22+$0x2800] =	vst v1  }
0x1d: {  	[spmem:s4] =	stream.linear.scatter [tilespmem:s16], [sflag:$0x2], $0x4000, $0x38;
	[tilespmem:$0xD000] =	vst v63  }
0x1e: {  	_ =	swait.ge [sflag:s17], $0x4000  }
0x1f: {  	[sflag:s17] =	ssyncset.done $0x0  }
0x20: {  	[sflag:s17] =	ssyncadd.s32 $0xFFFFC000  }
0x21: {  	[spmem:s8] =	stream.linear.scatter [tilespmem:s16], [sflag:$0x2], $0x4000, $0x38;
	[tilespmem:$0xD000] =	vst v63  }
0x22: {  	_ =	swait.ge [sflag:s17], $0x4000  }
0x23: {  	[sflag:s17] =	ssyncset.done $0x0  }
0x24: {  	[sflag:s17] =	ssyncadd.s32 $0xFFFFC000  }
0x25: {  	[spmem:s9] =	stream.linear.scatter [tilespmem:s16], [sflag:$0x2], $0x4000, $0x38;
	[tilespmem:$0xD000] =	vst v63  }
0x26: {  	_ =	swait.ge [sflag:s17], $0x4000  }
0x27: {  	[sflag:s17] =	ssyncset.done $0x0  }
0x28: {  	[sflag:s17] =	ssyncadd.s32 $0xFFFFC000  }
0x29: {  	[spmem:s10] =	stream.linear.scatter [tilespmem:s16], [sflag:$0x2], $0x4000, $0x38;
	[tilespmem:$0xD000] =	vst v63  }
0x2a: {  	_ =	swait.ge [sflag:s17], $0x4000  }
0x2b: {  	[sflag:s17] =	ssyncset.done $0x0  }
0x2c: {  	[sflag:s17] =	ssyncadd.s32 $0xFFFFC000  }
0x2d: {  	[spmem:s11] =	stream.linear.scatter [tilespmem:s16], [sflag:$0x2], $0x4000, $0x38;
	[tilespmem:$0xD000] =	vst v63  }
0x2e: {  	_ =	swait.ge [sflag:s17], $0x4000  }
0x2f: {  	[sflag:s17] =	ssyncset.done $0x0  }
0x30: {  	s21 =	simm.s32 $0x0;
	[sflag:s17] =	ssyncadd.s32 $0xFFFFC000  }
0x31: {  	[tilespmem:s21], [sflag:$0x1] =	stream.linear.gather [hbm4b:s5+s21], $0x2800, $0x38;
	[tilespmem:$0xD000] =	vst v63  }
0x32: {  	_ =	swait.ge [sflag:s18], $0x2800  }
0x33: {  	[sflag:s18] =	ssyncset.done $0x0  }
0x34: {  	[sflag:s18] =	ssyncadd.s32 $0xFFFFD800  }
0x35: {  	s31 =	simm.s32 $0x0;
	[bflag:$0x0] =	sbarrier.arrive $0xFFFF  }
0x36: {  	[spmem:s2] =	stream.indirect.scatter.add.f32 [tilespmem:s20], [sflag:$0x2], $0x10, s31, s19, $0xb8;
	[tilespmem:$0xD000] =	vst v63  }
0x37: {  	_ =	swait.ge [sflag:s17], $0x800  }
0x38: {  	s21 =	simm.s32 $0x200;
	[sflag:s17] =	ssyncset.done $0x0  }
.LBB2_6:
0x39: {  	s22 =	sshra.s32 s21, $0x2;
	[sflag:s17] =	ssyncadd.s32 $0xFFFFF800;
	p0 =	sne.s32 s21, $0x9E00  }
0x3a: {  	[spmem:s2] =	stream.indirect.scatter.add.f32 [tilespmem:s20], [sflag:$0x2], $0x10, s22, s19, $0xb8;
	[tilespmem:$0xD000] =	vst v63  }
.Ltmp2:
0x3b: {  	_ = 	snop;
	(pc) =	sbr.rel @p0 .LBB2_6-.Ltmp2, $4  }
0x3c: {  	_ = 	snop  }
0x3d: {  	s21 =	sadd.s32 $0x200, s21  }
0x3e: {  	_ =	swait.ge [sflag:s17], $0x800  }
0x3f: {  	[sflag:s17] =	ssyncset.done $0x0  }
0x40: {  	[sflag:s17] =	ssyncadd.s32 $0xFFFFF800;
	s21 =	sshll.u32 s1, $0x6  }
0x41: {  	s22 =	sshrl.u32 s4, $0x3;
	[bflag:$0x0] =	sbarrier.arrive $0xFFFF;
	s21 =	sor.u32 $0x1C02, s21  }
0x42: {  	[hbm:s6], [sflag:s21] =	dma.local [spmem:s22], $0x800  }
0x43: {  	_ =	swait.ge [sflag:s17], $0x800  }
0x44: {  	[sflag:s17] =	ssyncset.done $0x0  }
0x45: {  	s28 =	sshrl.u32 s8, $0x3;
	[sflag:s17] =	ssyncadd.s32 $0xFFFFF800  }
0x46: {  	[hbm:s12], [sflag:s21] =	dma.local [spmem:s28], $0x800  }
0x47: {  	_ =	swait.ge [sflag:s17], $0x800  }
0x48: {  	[sflag:s17] =	ssyncset.done $0x0  }
0x49: {  	s29 =	sshrl.u32 s9, $0x3;
	[sflag:s17] =	ssyncadd.s32 $0xFFFFF800  }
0x4a: {  	[hbm:s13], [sflag:s21] =	dma.local [spmem:s29], $0x800  }
0x4b: {  	_ =	swait.ge [sflag:s17], $0x800  }
0x4c: {  	[sflag:s17] =	ssyncset.done $0x0  }
0x4d: {  	s30 =	sshrl.u32 s10, $0x3;
	[sflag:s17] =	ssyncadd.s32 $0xFFFFF800  }
0x4e: {  	[hbm:s14], [sflag:s21] =	dma.local [spmem:s30], $0x800  }
0x4f: {  	s3 =	sadd.s32 $0x1, s3;
	_ =	swait.ge [sflag:s17], $0x800  }
0x50: {  	p0 =	sne.s32 s3, s7;
	[sflag:s17] =	ssyncset.done $0x0  }
.Ltmp3:
0x51: {  	s31 =	sshrl.u32 s11, $0x3;
	[sflag:s17] =	ssyncadd.s32 $0xFFFFF800;
	(pc) =	sbr.rel @p0 .LBB2_1-.Ltmp3, $4  }
0x52: {  	[hbm:s15], [sflag:s21] =	dma.local [spmem:s31], $0x800  }
0x53: {  	_ =	swait.ge [sflag:s17], $0x800  }
0x54: {  	[sflag:s17] =	ssyncset.done $0x0  }
0x55: {  	[sflag:s17] =	ssyncadd.s32 $0xFFFFF800  }
0x56: {  	_ =	sfence.sel $0x180000  }
0x57: {  	[bflag:$0x0] =	sbarrier.arrive $0xFFFF  }
0x58: {  	p0 =	sne.s32 s1, $0x0;
	_ =	strace $0x90000047  }
0x59: {  	s0 =	sadd.s32 @!p0 $0x100000, s0;
	[bflag:$0x2] =	sbarrier.arrive $0xFFFF  }
0x5a: {  	[sflag:s0] =	ssyncadd.tile.s32 @!p0 $0x1;
	_ =	shalt  }
.Lfunc_end2:
_tile_overlayer_lowered:
.L_overlay_start_2:
0x5b: {  	(tag) =	ssettag $0x2  }
0x5c: {  	s0 =	rddreg [dreg:$0x0];
	s2 =	stileid.u32  }
0x5d: {  	s1 =	rddreg [dreg:$0x1];
	p0 =	sne.s32 s2, $0x0  }
0x5e: {  	s3 =	rddreg [dreg:$0x2];
	[bflag:$0x3] =	sbarrier.arrive $0xFFFF;
	s2 =	simm.s32 @!p0 $0x1C02  }
0x5f: {  	[timem:s3], [sflag:s2] =	dma.local @!p0 [hbm:s0], s1  }
0x60: {  	s0 =	simm.s32 @!p0 $0x2  }
0x61: {  	_ =	swait.ge @!p0 [sflag:s0], s1  }
0x62: {  	s1 =	ssub.s32 @!p0 $0x0, s1;
	[sflag:s0] =	ssyncset.done @!p0 $0x0  }
0x63: {  	[sflag:s0] =	ssyncadd.s32 @!p0 s1  }
0x64: {  	[bflag:$0x3] =	sbarrier.arrive $0xFFFF  }
0x65: {  	_ =	shalt  }

</sc_bundles>
